<compile_context>
chip_gen: v7x
topology: tpu7x:2x2x1
jax: 0.10.2.dev20260603
libtpu: 0.0.44.dev20260713+nightly
codegen_flags: <defaults>
</compile_context>

<pallas_src>
import functools

import jax
import jax.numpy as jnp
from jax import lax
from jax.experimental import pallas as pl
from jax.experimental.pallas import tpu as pltpu
from jax.experimental.pallas import tpu_sc as plsc

NC = 2
NS = 16
NW = NC * NS
CHUNK = 128


def _sc_mesh():
    return plsc.VectorSubcoreMesh(
        core_axis_name="c", subcore_axis_name="s", num_cores=NC,
        num_subcores=NS)


def _make_hist(n_pad, cpt):
    @functools.partial(
        pl.kernel,
        out_type=jax.ShapeDtypeStruct((NW, n_pad), jnp.float32),
        mesh=_sc_mesh(),
        compiler_params=pltpu.CompilerParams(needs_layout_passes=False),
        scratch_types=[
            pltpu.VMEM((cpt, 2, CHUNK), jnp.int32),
            pltpu.VMEM((n_pad,), jnp.float32),
        ],
    )
    def hist_kernel(edges_hbm, hist_out, ed_v, loc_v):
        cid = lax.axis_index("c")
        sid = lax.axis_index("s")
        wid = sid * NC + cid

        def zstep(i, carry):
            z = jnp.zeros((16,), jnp.float32)
            for u in range(8):
                loc_v[pl.ds(i * 128 + u * 16, 16)] = z
            return carry

        lax.fori_loop(0, n_pad // 128, zstep, 0)
        pltpu.sync_copy(edges_hbm.at[wid], ed_v)
        ones = jnp.ones((16,), jnp.float32)

        def step(j, carry):
            for i in range(CHUNK // 16):
                idx = ed_v[j, 1, pl.ds(i * 16, 16)]
                plsc.addupdate_scatter(loc_v, [idx], ones)
            return carry

        lax.fori_loop(0, cpt, step, 0)
        pltpu.sync_copy(loc_v, hist_out.at[wid])

    return hist_kernel


def _make_spmm(n_pad, cpt, d):
    rpt = n_pad // NS

    @functools.partial(
        pl.kernel,
        out_type=jax.ShapeDtypeStruct((NC, n_pad, d), jnp.float32),
        mesh=_sc_mesh(),
        scratch_types=[
            pltpu.VMEM((2, CHUNK), jnp.int32),
            pltpu.VMEM((2, CHUNK), jnp.int32),
            pltpu.VMEM((2, CHUNK), jnp.int32),
            pltpu.VMEM((2, CHUNK), jnp.int32),
            pltpu.VMEM((CHUNK, d), jnp.float32),
            pltpu.VMEM((CHUNK, d), jnp.float32),
            pltpu.VMEM_SHARED((n_pad, d), jnp.float32),
            pltpu.SemaphoreType.DMA,
            pltpu.SemaphoreType.DMA,
            pltpu.SemaphoreType.DMA,
            pltpu.SemaphoreType.DMA,
            pltpu.SemaphoreType.DMA,
            pltpu.SemaphoreType.DMA,
        ],
    )
    def spmm_kernel(g_hbm, edges_hbm, zrow_hbm, acc_out, win0_v, win1_v,
                    win2_v, win3_v, rows0_v, rows1_v, acc_sh,
                    semg0, semg1, semi0, semi1, semi2, semi3):
        cid = lax.axis_index("c")
        sid = lax.axis_index("s")
        wid = sid * NC + cid

        pltpu.sync_copy(edges_hbm.at[wid].at[0], win0_v)
        pltpu.async_copy(g_hbm.at[win0_v.at[0]], rows0_v, semg0)

        @pl.when(1 < cpt)
        def _():
            pltpu.async_copy(edges_hbm.at[wid].at[1], win1_v, semi1)

        @pl.when(2 < cpt)
        def _():
            pltpu.async_copy(edges_hbm.at[wid].at[2], win2_v, semi2)

        @pl.when(cid == 0)
        def _():
            pltpu.sync_copy(g_hbm.at[pl.ds(sid * rpt, rpt)],
                            acc_sh.at[pl.ds(sid * rpt, rpt)])

        @pl.when(cid == 1)
        def _():
            pltpu.sync_copy(zrow_hbm, acc_sh.at[pl.ds(sid * rpt, rpt)])

        plsc.subcore_barrier()

        def wait_rows(buf, sem):
            pltpu.make_async_copy(g_hbm.at[pl.ds(0, CHUNK)], buf, sem).wait()

        def wait_win(buf, sem):
            pltpu.make_async_copy(edges_hbm.at[0].at[0], buf, sem).wait()

        def step(k, carry):
            j0 = 4 * k
            j1 = j0 + 1
            j2 = j0 + 2
            j3 = j0 + 3
            j4 = j0 + 4
            j5 = j0 + 5
            j6 = j0 + 6

            @pl.when(j1 < cpt)
            def _():
                wait_win(win1_v, semi1)
                pltpu.async_copy(g_hbm.at[win1_v.at[0]], rows1_v, semg1)

            @pl.when(j3 < cpt)
            def _():
                pltpu.async_copy(edges_hbm.at[wid].at[j3], win3_v, semi3)

            wait_rows(rows0_v, semg0)
            pltpu.sync_copy(rows0_v, acc_sh.at[win0_v.at[1]], add=True)

            @pl.when(j2 < cpt)
            def _():
                wait_win(win2_v, semi2)
                pltpu.async_copy(g_hbm.at[win2_v.at[0]], rows0_v, semg0)

            @pl.when(j4 < cpt)
            def _():
                pltpu.async_copy(edges_hbm.at[wid].at[j4], win0_v, semi0)

            @pl.when(j1 < cpt)
            def _():
                wait_rows(rows1_v, semg1)
                pltpu.sync_copy(rows1_v, acc_sh.at[win1_v.at[1]], add=True)

            @pl.when(j3 < cpt)
            def _():
                wait_win(win3_v, semi3)
                pltpu.async_copy(g_hbm.at[win3_v.at[0]], rows1_v, semg1)

            @pl.when(j5 < cpt)
            def _():
                pltpu.async_copy(edges_hbm.at[wid].at[j5], win1_v, semi1)

            @pl.when(j2 < cpt)
            def _():
                wait_rows(rows0_v, semg0)
                pltpu.sync_copy(rows0_v, acc_sh.at[win2_v.at[1]], add=True)

            @pl.when(j6 < cpt)
            def _():
                pltpu.async_copy(edges_hbm.at[wid].at[j6], win2_v, semi2)

            @pl.when(j4 < cpt)
            def _():
                wait_win(win0_v, semi0)
                pltpu.async_copy(g_hbm.at[win0_v.at[0]], rows0_v, semg0)

            @pl.when(j3 < cpt)
            def _():
                wait_rows(rows1_v, semg1)
                pltpu.sync_copy(rows1_v, acc_sh.at[win3_v.at[1]], add=True)

            return carry

        lax.fori_loop(0, (cpt + 3) // 4, step, 0)
        plsc.subcore_barrier()
        pltpu.sync_copy(acc_sh.at[pl.ds(sid * rpt, rpt)],
                        acc_out.at[cid].at[pl.ds(sid * rpt, rpt)])

    return spmm_kernel


def _matmul_body(x_ref, w_ref, h_ref):
    h_ref[...] = jnp.dot(x_ref[...], w_ref[...],
                         preferred_element_type=jnp.float32)


def _scale_body(h_ref, hist_ref, g_ref):
    deg = jnp.sum(hist_ref[...], axis=1, keepdims=True) + 1.0
    g_ref[...] = h_ref[...] * lax.rsqrt(deg)


def _final_body(acc_ref, hist_ref, b_ref, out_ref):
    deg = jnp.sum(hist_ref[...], axis=1, keepdims=True) + 1.0
    s = lax.rsqrt(deg)
    out_ref[...] = (acc_ref[0] + acc_ref[1]) * s + b_ref[...]


def kernel(x, edge_index, W, b):
    n, d_in = x.shape
    d = W.shape[1]
    e = edge_index.shape[1]

    n_pad = (n // 128 + 1) * 128
    n_pad = ((n_pad + 2047) // 2048) * 2048
    e_pad = ((e + NW * CHUNK - 1) // (NW * CHUNK)) * (NW * CHUNK)
    cpt = e_pad // (NW * CHUNK)
    rpt = n_pad // NS
    pad_cnt = e_pad - e
    pad_rows = n_pad - n

    pad_idx = (n + jnp.arange(pad_cnt, dtype=jnp.int32) % pad_rows)
    ei_pad = jnp.concatenate(
        [edge_index, jnp.stack([pad_idx, pad_idx])], axis=1)
    edges_p = ei_pad.reshape(2, NW, cpt, CHUNK).transpose(1, 2, 0, 3)

    hist = _make_hist(n_pad, cpt)(edges_p).T

    zrow_d = jnp.zeros((rpt, d), jnp.float32)
    bt = 2000
    grid = (n // bt,)
    h = pl.pallas_call(
        _matmul_body,
        grid=grid,
        in_specs=[
            pl.BlockSpec((bt, d_in), lambda i: (i, 0)),
            pl.BlockSpec((d_in, d), lambda i: (0, 0)),
        ],
        out_specs=pl.BlockSpec((bt, d), lambda i: (i, 0)),
        out_shape=jax.ShapeDtypeStruct((n, d), jnp.float32),
    )(x, W)
    g = pl.pallas_call(
        _scale_body,
        grid=grid,
        in_specs=[
            pl.BlockSpec((bt, d), lambda i: (i, 0)),
            pl.BlockSpec((bt, NW), lambda i: (i, 0)),
        ],
        out_specs=pl.BlockSpec((bt, d), lambda i: (i, 0)),
        out_shape=jax.ShapeDtypeStruct((n_pad, d), jnp.float32),
    )(h, hist)

    acc = _make_spmm(n_pad, cpt, d)(g, edges_p, zrow_d)

    out = pl.pallas_call(
        _final_body,
        grid=grid,
        in_specs=[
            pl.BlockSpec((NC, bt, d), lambda i: (0, i, 0)),
            pl.BlockSpec((bt, NW), lambda i: (i, 0)),
            pl.BlockSpec((1, d), lambda i: (0, 0)),
        ],
        out_specs=pl.BlockSpec((bt, d), lambda i: (i, 0)),
        out_shape=jax.ShapeDtypeStruct((n, d), jnp.float32),
    )(acc, hist, b.reshape(1, d))

    return out

# --- scband reference (transcript-rebuilt; emitter-appended) ---
"""Pipeline reference for scband-gcnconv-51505247814306 (READ-ONLY COPY).

The authoritative reference and input builder live on the scoring server;
editing this copy changes nothing except your own understanding.
"""

import jax, jax.numpy as jnp
import numpy as np

N = 10000
E = 320000
D_IN = 128
D_OUT = 128


def setup_inputs(seed: int = 0) -> dict:
    key = jax.random.key(seed)
    k1, k2, k3 = jax.random.split(key, 3)
    x = jax.random.normal(k1, (N, D_IN), dtype=jnp.float32)
    edge_index = jax.random.randint(k2, (2, E), 0, N, dtype=jnp.int32)
    # Linear weight, glorot init, no bias inside lin; module-level bias param
    limit = np.sqrt(6.0 / (D_IN + D_OUT))
    W = jax.random.uniform(k3, (D_IN, D_OUT), dtype=jnp.float32, minval=-limit, maxval=limit)
    b = jnp.zeros((D_OUT,), dtype=jnp.float32)
    return {"x": x, "edge_index": edge_index, "W": W, "b": b}


def reference(x, edge_index, W, b):
    # x = self.lin(x)
    h = x @ W
    n = h.shape[0]
    src = edge_index[0]
    dst = edge_index[1]
    # gcn_norm with add_self_loops=True, improved=False (fill_value=1.0)
    loop = jnp.arange(n, dtype=edge_index.dtype)
    src_full = jnp.concatenate([src, loop])
    dst_full = jnp.concatenate([dst, loop])
    ew = jnp.ones((src_full.shape[0],), dtype=h.dtype)
    deg = jax.ops.segment_sum(ew, dst_full, num_segments=n)
    deg_inv_sqrt = jnp.where(deg > 0, deg ** -0.5, 0.0)  # masked_fill inf -> 0
    norm = deg_inv_sqrt[src_full] * ew * deg_inv_sqrt[dst_full]
    # spmm: aggregate messages at dst
    out = jax.ops.segment_sum(norm[:, None] * h[src_full], dst_full, num_segments=n)
    # out += bias
    return out + b

if __name__ == "__main__":
    import jax
    _d = setup_inputs()
    print(jax.jit(kernel)(*tuple(_d.values())))

</pallas_src>

<mosaic_0001>
#map = affine_map<(d0, d1) -> (0, 0)>
#map1 = affine_map<(d0, d1) -> (0, 0, 0, 0)>
#map2 = affine_map<(d0, d1) -> (0, 0, 0)>
module attributes {stable_mosaic.version = 14 : i64} {
  func.func @spmm_kernel(%arg0: i32, %arg1: i32, %arg2: memref<10240x128xf32, #tpu.memory_space<hbm>>, %arg3: memref<32x79x2x128xi32, #tpu.memory_space<hbm>>, %arg4: memref<640x128xf32, #tpu.memory_space<hbm>>, %arg5: memref<2x10240x128xf32, #tpu.memory_space<hbm>>, %arg6: memref<2x128xi32, #tpu.memory_space<vmem>>, %arg7: memref<2x128xi32, #tpu.memory_space<vmem>>, %arg8: memref<2x128xi32, #tpu.memory_space<vmem>>, %arg9: memref<2x128xi32, #tpu.memory_space<vmem>>, %arg10: memref<128x128xf32, #tpu.memory_space<vmem>>, %arg11: memref<128x128xf32, #tpu.memory_space<vmem>>, %arg12: memref<10240x128xf32, #tpu.memory_space<vmem_shared>>, %arg13: memref<!tpu.dma_semaphore, #tpu.memory_space<semaphore_mem>>, %arg14: memref<!tpu.dma_semaphore, #tpu.memory_space<semaphore_mem>>, %arg15: memref<!tpu.dma_semaphore, #tpu.memory_space<semaphore_mem>>, %arg16: memref<!tpu.dma_semaphore, #tpu.memory_space<semaphore_mem>>, %arg17: memref<!tpu.dma_semaphore, #tpu.memory_space<semaphore_mem>>, %arg18: memref<!tpu.dma_semaphore, #tpu.memory_space<semaphore_mem>>) attributes {dimension_semantics = [#tpu.dimension_semantics<core_parallel>, #tpu.dimension_semantics<subcore_parallel>], iteration_bounds = array<i64: 2, 16>, scalar_prefetch = 0 : i64, scratch_operands = 13 : i64, tpu.core_type = #tpu.core_type<sc_vector_subcore>, window_params = [{transform_indices = #map}, {transform_indices = #map1}, {transform_indices = #map}, {transform_indices = #map2}]} {
    %mul3A = arith.constant 2 : i32
    %mul3A_0 = arith.muli %arg1, %mul3A : i32
    %add3A = arith.addi %mul3A_0, %arg0 : i32
    %run_scoped3A = arith.constant 0 : i32
    "tpu.region"() ({
      %run_scoped3A_62 = tpu.sem_alloc : memref<!tpu.dma_semaphore, #tpu.memory_space<semaphore_mem>>
      %dma_start3A_63 = arith.constant 0 : i32
      %dma_start3A_64 = arith.constant 0 : i32
      %dma_start3A_65 = arith.constant 0 : i32
      %dma_start3A_66 = tpu.memref_slice %arg3[%add3A, %dma_start3A_63, %dma_start3A_64, %dma_start3A_65] : memref<32x79x2x128xi32, #tpu.memory_space<hbm>> -> memref<1x79x2x128xi32, #tpu.memory_space<hbm>>
      %dma_start3A_67 = tpu.memref_squeeze %dma_start3A_66 : memref<1x79x2x128xi32, #tpu.memory_space<hbm>> -> memref<79x2x128xi32, #tpu.memory_space<hbm>>
      %dma_start3A_68 = arith.constant 0 : i32
      %dma_start3A_69 = arith.constant 0 : i32
      %dma_start3A_70 = tpu.memref_slice %dma_start3A_67[%run_scoped3A, %dma_start3A_68, %dma_start3A_69] : memref<79x2x128xi32, #tpu.memory_space<hbm>> -> memref<1x2x128xi32, #tpu.memory_space<hbm>>
      %dma_start3A_71 = tpu.memref_squeeze %dma_start3A_70 : memref<1x2x128xi32, #tpu.memory_space<hbm>> -> memref<2x128xi32, #tpu.memory_space<hbm>>
      %dma_start3A_72 = arith.constant 0 : i32
      %dma_start3A_73 = arith.constant 0 : i32
      %dma_start3A_74 = arith.constant 0 : i32
      %dma_start3A_75 = tpu.memref_slice %arg3[%add3A, %dma_start3A_72, %dma_start3A_73, %dma_start3A_74] : memref<32x79x2x128xi32, #tpu.memory_space<hbm>> -> memref<1x79x2x128xi32, #tpu.memory_space<hbm>>
      %dma_start3A_76 = tpu.memref_squeeze %dma_start3A_75 : memref<1x79x2x128xi32, #tpu.memory_space<hbm>> -> memref<79x2x128xi32, #tpu.memory_space<hbm>>
      %dma_start3A_77 = arith.constant 0 : i32
      %dma_start3A_78 = arith.constant 0 : i32
      %dma_start3A_79 = tpu.memref_slice %dma_start3A_76[%run_scoped3A, %dma_start3A_77, %dma_start3A_78] : memref<79x2x128xi32, #tpu.memory_space<hbm>> -> memref<1x2x128xi32, #tpu.memory_space<hbm>>
      %dma_start3A_80 = tpu.memref_squeeze %dma_start3A_79 : memref<1x2x128xi32, #tpu.memory_space<hbm>> -> memref<2x128xi32, #tpu.memory_space<hbm>>
      tpu.enqueue_dma source(%dma_start3A_80 : memref<2x128xi32, #tpu.memory_space<hbm>>) target(%arg6 : memref<2x128xi32, #tpu.memory_space<vmem>>) target_semaphore(%run_scoped3A_62 : memref<!tpu.dma_semaphore, #tpu.memory_space<semaphore_mem>>)
      %dma_wait3A = arith.constant 0 : i32
      %dma_wait3A_81 = arith.constant 0 : i32
      %dma_wait3A_82 = arith.constant 0 : i32
      %dma_wait3A_83 = tpu.memref_slice %arg3[%add3A, %dma_wait3A, %dma_wait3A_81, %dma_wait3A_82] : memref<32x79x2x128xi32, #tpu.memory_space<hbm>> -> memref<1x79x2x128xi32, #tpu.memory_space<hbm>>
      %dma_wait3A_84 = tpu.memref_squeeze %dma_wait3A_83 : memref<1x79x2x128xi32, #tpu.memory_space<hbm>> -> memref<79x2x128xi32, #tpu.memory_space<hbm>>
      %dma_wait3A_85 = arith.constant 0 : i32
      %dma_wait3A_86 = arith.constant 0 : i32
      %dma_wait3A_87 = tpu.memref_slice %dma_wait3A_84[%run_scoped3A, %dma_wait3A_85, %dma_wait3A_86] : memref<79x2x128xi32, #tpu.memory_space<hbm>> -> memref<1x2x128xi32, #tpu.memory_space<hbm>>
      %dma_wait3A_88 = tpu.memref_squeeze %dma_wait3A_87 : memref<1x2x128xi32, #tpu.memory_space<hbm>> -> memref<2x128xi32, #tpu.memory_space<hbm>>
      %dma_wait3A_89 = arith.constant 0 : i32
      %dma_wait3A_90 = arith.constant 0 : i32
      %dma_wait3A_91 = arith.constant 0 : i32
      %dma_wait3A_92 = tpu.memref_slice %arg3[%add3A, %dma_wait3A_89, %dma_wait3A_90, %dma_wait3A_91] : memref<32x79x2x128xi32, #tpu.memory_space<hbm>> -> memref<1x79x2x128xi32, #tpu.memory_space<hbm>>
      %dma_wait3A_93 = tpu.memref_squeeze %dma_wait3A_92 : memref<1x79x2x128xi32, #tpu.memory_space<hbm>> -> memref<79x2x128xi32, #tpu.memory_space<hbm>>
      %dma_wait3A_94 = arith.constant 0 : i32
      %dma_wait3A_95 = arith.constant 0 : i32
      %dma_wait3A_96 = tpu.memref_slice %dma_wait3A_93[%run_scoped3A, %dma_wait3A_94, %dma_wait3A_95] : memref<79x2x128xi32, #tpu.memory_space<hbm>> -> memref<1x2x128xi32, #tpu.memory_space<hbm>>
      %dma_wait3A_97 = tpu.memref_squeeze %dma_wait3A_96 : memref<1x2x128xi32, #tpu.memory_space<hbm>> -> memref<2x128xi32, #tpu.memory_space<hbm>>
      tpu.wait_dma2 semaphore(%run_scoped3A_62 : memref<!tpu.dma_semaphore, #tpu.memory_space<semaphore_mem>>) src(%dma_wait3A_97 : memref<2x128xi32, #tpu.memory_space<hbm>>) dst(%arg6 : memref<2x128xi32, #tpu.memory_space<vmem>>)
      tpu.yield
    }) : () -> ()
    %dma_start3A = arith.constant 0 : i32
    %dma_start3A_1 = arith.constant 0 : i32
    %dma_start3A_2 = tpu.memref_slice %arg6[%dma_start3A, %dma_start3A_1] : memref<2x128xi32, #tpu.memory_space<vmem>> -> memref<1x128xi32, #tpu.memory_space<vmem>>
    %dma_start3A_3 = tpu.memref_squeeze %dma_start3A_2 : memref<1x128xi32, #tpu.memory_space<vmem>> -> memref<128xi32, #tpu.memory_space<vmem>>
    %dma_start3A_4 = arith.constant 0 : i32
    %dma_start3A_5 = arith.constant 0 : i32
    %dma_start3A_6 = tpu.memref_slice %arg2[%dma_start3A_4, %dma_start3A_5] : memref<10240x128xf32, #tpu.memory_space<hbm>> -> memref<10240x128xf32, #tpu.memory_space<hbm>>
    tpu.enqueue_indirect_dma source(%dma_start3A_6 : memref<10240x128xf32, #tpu.memory_space<hbm>>) target(%arg10 : memref<128x128xf32, #tpu.memory_space<vmem>>) offsets(%dma_start3A_3 : memref<128xi32, #tpu.memory_space<vmem>>) semaphore(%arg13 : memref<!tpu.dma_semaphore, #tpu.memory_space<semaphore_mem>>)
    %dma_start3A_7 = arith.constant 1 : i32
    %dma_start3A_8 = arith.constant 0 : i32
    %dma_start3A_9 = arith.constant 0 : i32
    %dma_start3A_10 = arith.constant 0 : i32
    %dma_start3A_11 = tpu.memref_slice %arg3[%add3A, %dma_start3A_8, %dma_start3A_9, %dma_start3A_10] : memref<32x79x2x128xi32, #tpu.memory_space<hbm>> -> memref<1x79x2x128xi32, #tpu.memory_space<hbm>>
    %dma_start3A_12 = tpu.memref_squeeze %dma_start3A_11 : memref<1x79x2x128xi32, #tpu.memory_space<hbm>> -> memref<79x2x128xi32, #tpu.memory_space<hbm>>
    %dma_start3A_13 = arith.constant 0 : i32
    %dma_start3A_14 = arith.constant 0 : i32
    %dma_start3A_15 = tpu.memref_slice %dma_start3A_12[%dma_start3A_7, %dma_start3A_13, %dma_start3A_14] : memref<79x2x128xi32, #tpu.memory_space<hbm>> -> memref<1x2x128xi32, #tpu.memory_space<hbm>>
    %dma_start3A_16 = tpu.memref_squeeze %dma_start3A_15 : memref<1x2x128xi32, #tpu.memory_space<hbm>> -> memref<2x128xi32, #tpu.memory_space<hbm>>
    %dma_start3A_17 = arith.constant 0 : i32
    %dma_start3A_18 = arith.constant 0 : i32
    %dma_start3A_19 = arith.constant 0 : i32
    %dma_start3A_20 = tpu.memref_slice %arg3[%add3A, %dma_start3A_17, %dma_start3A_18, %dma_start3A_19] : memref<32x79x2x128xi32, #tpu.memory_space<hbm>> -> memref<1x79x2x128xi32, #tpu.memory_space<hbm>>
    %dma_start3A_21 = tpu.memref_squeeze %dma_start3A_20 : memref<1x79x2x128xi32, #tpu.memory_space<hbm>> -> memref<79x2x128xi32, #tpu.memory_space<hbm>>
    %dma_start3A_22 = arith.constant 0 : i32
    %dma_start3A_23 = arith.constant 0 : i32
    %dma_start3A_24 = tpu.memref_slice %dma_start3A_21[%dma_start3A_7, %dma_start3A_22, %dma_start3A_23] : memref<79x2x128xi32, #tpu.memory_space<hbm>> -> memref<1x2x128xi32, #tpu.memory_space<hbm>>
    %dma_start3A_25 = tpu.memref_squeeze %dma_start3A_24 : memref<1x2x128xi32, #tpu.memory_space<hbm>> -> memref<2x128xi32, #tpu.memory_space<hbm>>
    tpu.enqueue_dma source(%dma_start3A_25 : memref<2x128xi32, #tpu.memory_space<hbm>>) target(%arg7 : memref<2x128xi32, #tpu.memory_space<vmem>>) target_semaphore(%arg16 : memref<!tpu.dma_semaphore, #tpu.memory_space<semaphore_mem>>)
    %dma_start3A_26 = arith.constant 2 : i32
    %dma_start3A_27 = arith.constant 0 : i32
    %dma_start3A_28 = arith.constant 0 : i32
    %dma_start3A_29 = arith.constant 0 : i32
    %dma_start3A_30 = tpu.memref_slice %arg3[%add3A, %dma_start3A_27, %dma_start3A_28, %dma_start3A_29] : memref<32x79x2x128xi32, #tpu.memory_space<hbm>> -> memref<1x79x2x128xi32, #tpu.memory_space<hbm>>
    %dma_start3A_31 = tpu.memref_squeeze %dma_start3A_30 : memref<1x79x2x128xi32, #tpu.memory_space<hbm>> -> memref<79x2x128xi32, #tpu.memory_space<hbm>>
    %dma_start3A_32 = arith.constant 0 : i32
    %dma_start3A_33 = arith.constant 0 : i32
    %dma_start3A_34 = tpu.memref_slice %dma_start3A_31[%dma_start3A_26, %dma_start3A_32, %dma_start3A_33] : memref<79x2x128xi32, #tpu.memory_space<hbm>> -> memref<1x2x128xi32, #tpu.memory_space<hbm>>
    %dma_start3A_35 = tpu.memref_squeeze %dma_start3A_34 : memref<1x2x128xi32, #tpu.memory_space<hbm>> -> memref<2x128xi32, #tpu.memory_space<hbm>>
    %dma_start3A_36 = arith.constant 0 : i32
    %dma_start3A_37 = arith.constant 0 : i32
    %dma_start3A_38 = arith.constant 0 : i32
    %dma_start3A_39 = tpu.memref_slice %arg3[%add3A, %dma_start3A_36, %dma_start3A_37, %dma_start3A_38] : memref<32x79x2x128xi32, #tpu.memory_space<hbm>> -> memref<1x79x2x128xi32, #tpu.memory_space<hbm>>
    %dma_start3A_40 = tpu.memref_squeeze %dma_start3A_39 : memref<1x79x2x128xi32, #tpu.memory_space<hbm>> -> memref<79x2x128xi32, #tpu.memory_space<hbm>>
    %dma_start3A_41 = arith.constant 0 : i32
    %dma_start3A_42 = arith.constant 0 : i32
    %dma_start3A_43 = tpu.memref_slice %dma_start3A_40[%dma_start3A_26, %dma_start3A_41, %dma_start3A_42] : memref<79x2x128xi32, #tpu.memory_space<hbm>> -> memref<1x2x128xi32, #tpu.memory_space<hbm>>
    %dma_start3A_44 = tpu.memref_squeeze %dma_start3A_43 : memref<1x2x128xi32, #tpu.memory_space<hbm>> -> memref<2x128xi32, #tpu.memory_space<hbm>>
    tpu.enqueue_dma source(%dma_start3A_44 : memref<2x128xi32, #tpu.memory_space<hbm>>) target(%arg8 : memref<2x128xi32, #tpu.memory_space<vmem>>) target_semaphore(%arg17 : memref<!tpu.dma_semaphore, #tpu.memory_space<semaphore_mem>>)
    %eq3A = arith.constant 0 : i32
    %eq3A_45 = arith.cmpi eq, %arg0, %eq3A : i32
    %convert_element_type3A = arith.extui %eq3A_45 : i1 to i32
    %cond3A = arith.constant 0 : i32
    %cond3A_46 = arith.cmpi ne, %convert_element_type3A, %cond3A : i32
    scf.if %cond3A_46 {
      %mul3A_62 = arith.constant 640 : i32
      %mul3A_63 = arith.muli %arg1, %mul3A_62 : i32
      %mul3A_64 = arith.constant 640 : i32
      %mul3A_65 = arith.muli %arg1, %mul3A_64 : i32
      "tpu.region"() ({
        %run_scoped3A_66 = tpu.sem_alloc : memref<!tpu.dma_semaphore, #tpu.memory_space<semaphore_mem>>
        %dma_start3A_67 = arith.constant 0 : i32
        %dma_start3A_68 = tpu.memref_slice %arg12[%mul3A_65, %dma_start3A_67] : memref<10240x128xf32, #tpu.memory_space<vmem_shared>> -> memref<640x128xf32, #tpu.memory_space<vmem_shared>>
        %dma_start3A_69 = arith.constant 0 : i32
        %dma_start3A_70 = tpu.memref_slice %arg2[%mul3A_63, %dma_start3A_69] : memref<10240x128xf32, #tpu.memory_space<hbm>> -> memref<640x128xf32, #tpu.memory_space<hbm>>
        tpu.enqueue_dma source(%dma_start3A_70 : memref<640x128xf32, #tpu.memory_space<hbm>>) target(%dma_start3A_68 : memref<640x128xf32, #tpu.memory_space<vmem_shared>>) target_semaphore(%run_scoped3A_66 : memref<!tpu.dma_semaphore, #tpu.memory_space<semaphore_mem>>)
        %dma_wait3A = arith.constant 0 : i32
        %dma_wait3A_71 = tpu.memref_slice %arg12[%mul3A_65, %dma_wait3A] : memref<10240x128xf32, #tpu.memory_space<vmem_shared>> -> memref<640x128xf32, #tpu.memory_space<vmem_shared>>
        %dma_wait3A_72 = arith.constant 0 : i32
        %dma_wait3A_73 = tpu.memref_slice %arg2[%mul3A_63, %dma_wait3A_72] : memref<10240x128xf32, #tpu.memory_space<hbm>> -> memref<640x128xf32, #tpu.memory_space<hbm>>
        tpu.wait_dma2 semaphore(%run_scoped3A_66 : memref<!tpu.dma_semaphore, #tpu.memory_space<semaphore_mem>>) src(%dma_wait3A_73 : memref<640x128xf32, #tpu.memory_space<hbm>>) dst(%dma_wait3A_71 : memref<640x128xf32, #tpu.memory_space<vmem_shared>>)
        tpu.yield
      }) : () -> ()
    } else {
    }
    %eq3A_47 = arith.constant 1 : i32
    %eq3A_48 = arith.cmpi eq, %arg0, %eq3A_47 : i32
    %convert_element_type3A_49 = arith.extui %eq3A_48 : i1 to i32
    %cond3A_50 = arith.constant 0 : i32
    %cond3A_51 = arith.cmpi ne, %convert_element_type3A_49, %cond3A_50 : i32
    scf.if %cond3A_51 {
      %mul3A_62 = arith.constant 640 : i32
      %mul3A_63 = arith.muli %arg1, %mul3A_62 : i32
      "tpu.region"() ({
        %run_scoped3A_64 = tpu.sem_alloc : memref<!tpu.dma_semaphore, #tpu.memory_space<semaphore_mem>>
        %dma_start3A_65 = arith.constant 0 : i32
        %dma_start3A_66 = tpu.memref_slice %arg12[%mul3A_63, %dma_start3A_65] : memref<10240x128xf32, #tpu.memory_space<vmem_shared>> -> memref<640x128xf32, #tpu.memory_space<vmem_shared>>
        tpu.enqueue_dma source(%arg4 : memref<640x128xf32, #tpu.memory_space<hbm>>) target(%dma_start3A_66 : memref<640x128xf32, #tpu.memory_space<vmem_shared>>) target_semaphore(%run_scoped3A_64 : memref<!tpu.dma_semaphore, #tpu.memory_space<semaphore_mem>>)
        %dma_wait3A = arith.constant 0 : i32
        %dma_wait3A_67 = tpu.memref_slice %arg12[%mul3A_63, %dma_wait3A] : memref<10240x128xf32, #tpu.memory_space<vmem_shared>> -> memref<640x128xf32, #tpu.memory_space<vmem_shared>>
        tpu.wait_dma2 semaphore(%run_scoped3A_64 : memref<!tpu.dma_semaphore, #tpu.memory_space<semaphore_mem>>) src(%arg4 : memref<640x128xf32, #tpu.memory_space<hbm>>) dst(%dma_wait3A_67 : memref<640x128xf32, #tpu.memory_space<vmem_shared>>)
        tpu.yield
      }) : () -> ()
    } else {
    }
    %barrier3A = arith.constant 0 : index
    tpu.barrier barrier_id(%barrier3A)
    %scan3A = arith.constant 0 : i32
    %scan3A_52 = arith.constant 0 : i32
    %scan3A_53 = arith.constant 20 : i32
    %scan3A_54 = arith.addi %scan3A_52, %scan3A_53 : i32
    %scan3A_55 = arith.constant 1 : i32
    scf.for %scan3A_62 = %scan3A_52 to %scan3A_54 step %scan3A_55  : i32 {
      %mul3A_63 = arith.constant 4 : i32
      %mul3A_64 = arith.muli %mul3A_63, %scan3A_62 : i32
      %add3A_65 = arith.constant 1 : i32
      %add3A_66 = arith.addi %mul3A_64, %add3A_65 : i32
      %add3A_67 = arith.constant 2 : i32
      %add3A_68 = arith.addi %mul3A_64, %add3A_67 : i32
      %add3A_69 = arith.constant 3 : i32
      %add3A_70 = arith.addi %mul3A_64, %add3A_69 : i32
      %add3A_71 = arith.constant 4 : i32
      %add3A_72 = arith.addi %mul3A_64, %add3A_71 : i32
      %add3A_73 = arith.constant 5 : i32
      %add3A_74 = arith.addi %mul3A_64, %add3A_73 : i32
      %add3A_75 = arith.constant 6 : i32
      %add3A_76 = arith.addi %mul3A_64, %add3A_75 : i32
      %lt3A = arith.constant 79 : i32
      %lt3A_77 = arith.cmpi slt, %add3A_66, %lt3A : i32
      %convert_element_type3A_78 = arith.extui %lt3A_77 : i1 to i32
      %cond3A_79 = arith.constant 0 : i32
      %cond3A_80 = arith.cmpi ne, %convert_element_type3A_78, %cond3A_79 : i32
      scf.if %cond3A_80 {
        %dma_wait3A_137 = arith.constant 0 : i32
        %dma_wait3A_138 = arith.constant 0 : i32
        %dma_wait3A_139 = arith.constant 0 : i32
        %dma_wait3A_140 = arith.constant 0 : i32
        %dma_wait3A_141 = arith.constant 0 : i32
        %dma_wait3A_142 = tpu.memref_slice %arg3[%dma_wait3A_137, %dma_wait3A_139, %dma_wait3A_140, %dma_wait3A_141] : memref<32x79x2x128xi32, #tpu.memory_space<hbm>> -> memref<1x79x2x128xi32, #tpu.memory_space<hbm>>
        %dma_wait3A_143 = tpu.memref_squeeze %dma_wait3A_142 : memref<1x79x2x128xi32, #tpu.memory_space<hbm>> -> memref<79x2x128xi32, #tpu.memory_space<hbm>>
        %dma_wait3A_144 = arith.constant 0 : i32
        %dma_wait3A_145 = arith.constant 0 : i32
        %dma_wait3A_146 = tpu.memref_slice %dma_wait3A_143[%dma_wait3A_138, %dma_wait3A_144, %dma_wait3A_145] : memref<79x2x128xi32, #tpu.memory_space<hbm>> -> memref<1x2x128xi32, #tpu.memory_space<hbm>>
        %dma_wait3A_147 = tpu.memref_squeeze %dma_wait3A_146 : memref<1x2x128xi32, #tpu.memory_space<hbm>> -> memref<2x128xi32, #tpu.memory_space<hbm>>
        %dma_wait3A_148 = arith.constant 0 : i32
        %dma_wait3A_149 = arith.constant 0 : i32
        %dma_wait3A_150 = arith.constant 0 : i32
        %dma_wait3A_151 = tpu.memref_slice %arg3[%dma_wait3A_137, %dma_wait3A_148, %dma_wait3A_149, %dma_wait3A_150] : memref<32x79x2x128xi32, #tpu.memory_space<hbm>> -> memref<1x79x2x128xi32, #tpu.memory_space<hbm>>
        %dma_wait3A_152 = tpu.memref_squeeze %dma_wait3A_151 : memref<1x79x2x128xi32, #tpu.memory_space<hbm>> -> memref<79x2x128xi32, #tpu.memory_space<hbm>>
        %dma_wait3A_153 = arith.constant 0 : i32
        %dma_wait3A_154 = arith.constant 0 : i32
        %dma_wait3A_155 = tpu.memref_slice %dma_wait3A_152[%dma_wait3A_138, %dma_wait3A_153, %dma_wait3A_154] : memref<79x2x128xi32, #tpu.memory_space<hbm>> -> memref<1x2x128xi32, #tpu.memory_space<hbm>>
        %dma_wait3A_156 = tpu.memref_squeeze %dma_wait3A_155 : memref<1x2x128xi32, #tpu.memory_space<hbm>> -> memref<2x128xi32, #tpu.memory_space<hbm>>
        tpu.wait_dma2 semaphore(%arg16 : memref<!tpu.dma_semaphore, #tpu.memory_space<semaphore_mem>>) src(%dma_wait3A_156 : memref<2x128xi32, #tpu.memory_space<hbm>>) dst(%arg7 : memref<2x128xi32, #tpu.memory_space<vmem>>)
        %dma_start3A_157 = arith.constant 0 : i32
        %dma_start3A_158 = arith.constant 0 : i32
        %dma_start3A_159 = tpu.memref_slice %arg7[%dma_start3A_157, %dma_start3A_158] : memref<2x128xi32, #tpu.memory_space<vmem>> -> memref<1x128xi32, #tpu.memory_space<vmem>>
        %dma_start3A_160 = tpu.memref_squeeze %dma_start3A_159 : memref<1x128xi32, #tpu.memory_space<vmem>> -> memref<128xi32, #tpu.memory_space<vmem>>
        %dma_start3A_161 = arith.constant 0 : i32
        %dma_start3A_162 = arith.constant 0 : i32
        %dma_start3A_163 = tpu.memref_slice %arg2[%dma_start3A_161, %dma_start3A_162] : memref<10240x128xf32, #tpu.memory_space<hbm>> -> memref<10240x128xf32, #tpu.memory_space<hbm>>
        tpu.enqueue_indirect_dma source(%dma_start3A_163 : memref<10240x128xf32, #tpu.memory_space<hbm>>) target(%arg11 : memref<128x128xf32, #tpu.memory_space<vmem>>) offsets(%dma_start3A_160 : memref<128xi32, #tpu.memory_space<vmem>>) semaphore(%arg14 : memref<!tpu.dma_semaphore, #tpu.memory_space<semaphore_mem>>)
      } else {
      }
      %lt3A_81 = arith.constant 79 : i32
      %lt3A_82 = arith.cmpi slt, %add3A_70, %lt3A_81 : i32
      %convert_element_type3A_83 = arith.extui %lt3A_82 : i1 to i32
      %cond3A_84 = arith.constant 0 : i32
      %cond3A_85 = arith.cmpi ne, %convert_element_type3A_83, %cond3A_84 : i32
      scf.if %cond3A_85 {
        %dma_start3A_137 = arith.constant 0 : i32
        %dma_start3A_138 = arith.constant 0 : i32
        %dma_start3A_139 = arith.constant 0 : i32
        %dma_start3A_140 = tpu.memref_slice %arg3[%add3A, %dma_start3A_137, %dma_start3A_138, %dma_start3A_139] : memref<32x79x2x128xi32, #tpu.memory_space<hbm>> -> memref<1x79x2x128xi32, #tpu.memory_space<hbm>>
        %dma_start3A_141 = tpu.memref_squeeze %dma_start3A_140 : memref<1x79x2x128xi32, #tpu.memory_space<hbm>> -> memref<79x2x128xi32, #tpu.memory_space<hbm>>
        %dma_start3A_142 = arith.constant 0 : i32
        %dma_start3A_143 = arith.constant 0 : i32
        %dma_start3A_144 = tpu.memref_slice %dma_start3A_141[%add3A_70, %dma_start3A_142, %dma_start3A_143] : memref<79x2x128xi32, #tpu.memory_space<hbm>> -> memref<1x2x128xi32, #tpu.memory_space<hbm>>
        %dma_start3A_145 = tpu.memref_squeeze %dma_start3A_144 : memref<1x2x128xi32, #tpu.memory_space<hbm>> -> memref<2x128xi32, #tpu.memory_space<hbm>>
        %dma_start3A_146 = arith.constant 0 : i32
        %dma_start3A_147 = arith.constant 0 : i32
        %dma_start3A_148 = arith.constant 0 : i32
        %dma_start3A_149 = tpu.memref_slice %arg3[%add3A, %dma_start3A_146, %dma_start3A_147, %dma_start3A_148] : memref<32x79x2x128xi32, #tpu.memory_space<hbm>> -> memref<1x79x2x128xi32, #tpu.memory_space<hbm>>
        %dma_start3A_150 = tpu.memref_squeeze %dma_start3A_149 : memref<1x79x2x128xi32, #tpu.memory_space<hbm>> -> memref<79x2x128xi32, #tpu.memory_space<hbm>>
        %dma_start3A_151 = arith.constant 0 : i32
        %dma_start3A_152 = arith.constant 0 : i32
        %dma_start3A_153 = tpu.memref_slice %dma_start3A_150[%add3A_70, %dma_start3A_151, %dma_start3A_152] : memref<79x2x128xi32, #tpu.memory_space<hbm>> -> memref<1x2x128xi32, #tpu.memory_space<hbm>>
        %dma_start3A_154 = tpu.memref_squeeze %dma_start3A_153 : memref<1x2x128xi32, #tpu.memory_space<hbm>> -> memref<2x128xi32, #tpu.memory_space<hbm>>
        tpu.enqueue_dma source(%dma_start3A_154 : memref<2x128xi32, #tpu.memory_space<hbm>>) target(%arg9 : memref<2x128xi32, #tpu.memory_space<vmem>>) target_semaphore(%arg18 : memref<!tpu.dma_semaphore, #tpu.memory_space<semaphore_mem>>)
      } else {
      }
      %dma_wait3A = arith.constant 0 : i32
      %dma_wait3A_86 = arith.constant 0 : i32
      %dma_wait3A_87 = tpu.memref_slice %arg2[%dma_wait3A, %dma_wait3A_86] : memref<10240x128xf32, #tpu.memory_space<hbm>> -> memref<128x128xf32, #tpu.memory_space<hbm>>
      %dma_wait3A_88 = arith.constant 0 : i32
      %dma_wait3A_89 = arith.constant 0 : i32
      %dma_wait3A_90 = tpu.memref_slice %arg2[%dma_wait3A_88, %dma_wait3A_89] : memref<10240x128xf32, #tpu.memory_space<hbm>> -> memref<128x128xf32, #tpu.memory_space<hbm>>
      tpu.wait_dma2 semaphore(%arg13 : memref<!tpu.dma_semaphore, #tpu.memory_space<semaphore_mem>>) src(%dma_wait3A_90 : memref<128x128xf32, #tpu.memory_space<hbm>>) dst(%arg10 : memref<128x128xf32, #tpu.memory_space<vmem>>)
      %run_scoped3A_91 = arith.constant 1 : i32
      "tpu.region"() ({
        %run_scoped3A_137 = tpu.sem_alloc : memref<!tpu.dma_semaphore, #tpu.memory_space<semaphore_mem>>
        %dma_start3A_138 = arith.constant 0 : i32
        %dma_start3A_139 = tpu.memref_slice %arg6[%run_scoped3A_91, %dma_start3A_138] : memref<2x128xi32, #tpu.memory_space<vmem>> -> memref<1x128xi32, #tpu.memory_space<vmem>>
        %dma_start3A_140 = tpu.memref_squeeze %dma_start3A_139 : memref<1x128xi32, #tpu.memory_space<vmem>> -> memref<128xi32, #tpu.memory_space<vmem>>
        %dma_start3A_141 = arith.constant 0 : i32
        %dma_start3A_142 = arith.constant 0 : i32
        %dma_start3A_143 = tpu.memref_slice %arg12[%dma_start3A_141, %dma_start3A_142] : memref<10240x128xf32, #tpu.memory_space<vmem_shared>> -> memref<10240x128xf32, #tpu.memory_space<vmem_shared>>
        tpu.enqueue_indirect_dma source(%arg10 : memref<128x128xf32, #tpu.memory_space<vmem>>) target(%dma_start3A_143 : memref<10240x128xf32, #tpu.memory_space<vmem_shared>>) offsets(%dma_start3A_140 : memref<128xi32, #tpu.memory_space<vmem>>) semaphore(%run_scoped3A_137 : memref<!tpu.dma_semaphore, #tpu.memory_space<semaphore_mem>>) {add = true}
        %dma_wait3A_144 = arith.constant 0 : i32
        %dma_wait3A_145 = tpu.memref_slice %arg6[%run_scoped3A_91, %dma_wait3A_144] : memref<2x128xi32, #tpu.memory_space<vmem>> -> memref<1x128xi32, #tpu.memory_space<vmem>>
        %dma_wait3A_146 = tpu.memref_squeeze %dma_wait3A_145 : memref<1x128xi32, #tpu.memory_space<vmem>> -> memref<128xi32, #tpu.memory_space<vmem>>
        %dma_wait3A_147 = arith.constant 0 : i32
        %dma_wait3A_148 = arith.constant 0 : i32
        %dma_wait3A_149 = tpu.memref_slice %arg12[%dma_wait3A_147, %dma_wait3A_148] : memref<10240x128xf32, #tpu.memory_space<vmem_shared>> -> memref<10240x128xf32, #tpu.memory_space<vmem_shared>>
        tpu.wait_indirect_dma semaphore(%run_scoped3A_137 : memref<!tpu.dma_semaphore, #tpu.memory_space<semaphore_mem>>) src(%arg10 : memref<128x128xf32, #tpu.memory_space<vmem>>) dst(%dma_wait3A_149 : memref<10240x128xf32, #tpu.memory_space<vmem_shared>>)
        tpu.yield
      }) : () -> ()
      %lt3A_92 = arith.constant 79 : i32
      %lt3A_93 = arith.cmpi slt, %add3A_68, %lt3A_92 : i32
      %convert_element_type3A_94 = arith.extui %lt3A_93 : i1 to i32
      %cond3A_95 = arith.constant 0 : i32
      %cond3A_96 = arith.cmpi ne, %convert_element_type3A_94, %cond3A_95 : i32
      scf.if %cond3A_96 {
        %dma_wait3A_137 = arith.constant 0 : i32
        %dma_wait3A_138 = arith.constant 0 : i32
        %dma_wait3A_139 = arith.constant 0 : i32
        %dma_wait3A_140 = arith.constant 0 : i32
        %dma_wait3A_141 = arith.constant 0 : i32
        %dma_wait3A_142 = tpu.memref_slice %arg3[%dma_wait3A_137, %dma_wait3A_139, %dma_wait3A_140, %dma_wait3A_141] : memref<32x79x2x128xi32, #tpu.memory_space<hbm>> -> memref<1x79x2x128xi32, #tpu.memory_space<hbm>>
        %dma_wait3A_143 = tpu.memref_squeeze %dma_wait3A_142 : memref<1x79x2x128xi32, #tpu.memory_space<hbm>> -> memref<79x2x128xi32, #tpu.memory_space<hbm>>
        %dma_wait3A_144 = arith.constant 0 : i32
        %dma_wait3A_145 = arith.constant 0 : i32
        %dma_wait3A_146 = tpu.memref_slice %dma_wait3A_143[%dma_wait3A_138, %dma_wait3A_144, %dma_wait3A_145] : memref<79x2x128xi32, #tpu.memory_space<hbm>> -> memref<1x2x128xi32, #tpu.memory_space<hbm>>
        %dma_wait3A_147 = tpu.memref_squeeze %dma_wait3A_146 : memref<1x2x128xi32, #tpu.memory_space<hbm>> -> memref<2x128xi32, #tpu.memory_space<hbm>>
        %dma_wait3A_148 = arith.constant 0 : i32
        %dma_wait3A_149 = arith.constant 0 : i32
        %dma_wait3A_150 = arith.constant 0 : i32
        %dma_wait3A_151 = tpu.memref_slice %arg3[%dma_wait3A_137, %dma_wait3A_148, %dma_wait3A_149, %dma_wait3A_150] : memref<32x79x2x128xi32, #tpu.memory_space<hbm>> -> memref<1x79x2x128xi32, #tpu.memory_space<hbm>>
        %dma_wait3A_152 = tpu.memref_squeeze %dma_wait3A_151 : memref<1x79x2x128xi32, #tpu.memory_space<hbm>> -> memref<79x2x128xi32, #tpu.memory_space<hbm>>
        %dma_wait3A_153 = arith.constant 0 : i32
        %dma_wait3A_154 = arith.constant 0 : i32
        %dma_wait3A_155 = tpu.memref_slice %dma_wait3A_152[%dma_wait3A_138, %dma_wait3A_153, %dma_wait3A_154] : memref<79x2x128xi32, #tpu.memory_space<hbm>> -> memref<1x2x128xi32, #tpu.memory_space<hbm>>
        %dma_wait3A_156 = tpu.memref_squeeze %dma_wait3A_155 : memref<1x2x128xi32, #tpu.memory_space<hbm>> -> memref<2x128xi32, #tpu.memory_space<hbm>>
        tpu.wait_dma2 semaphore(%arg17 : memref<!tpu.dma_semaphore, #tpu.memory_space<semaphore_mem>>) src(%dma_wait3A_156 : memref<2x128xi32, #tpu.memory_space<hbm>>) dst(%arg8 : memref<2x128xi32, #tpu.memory_space<vmem>>)
        %dma_start3A_157 = arith.constant 0 : i32
        %dma_start3A_158 = arith.constant 0 : i32
        %dma_start3A_159 = tpu.memref_slice %arg8[%dma_start3A_157, %dma_start3A_158] : memref<2x128xi32, #tpu.memory_space<vmem>> -> memref<1x128xi32, #tpu.memory_space<vmem>>
        %dma_start3A_160 = tpu.memref_squeeze %dma_start3A_159 : memref<1x128xi32, #tpu.memory_space<vmem>> -> memref<128xi32, #tpu.memory_space<vmem>>
        %dma_start3A_161 = arith.constant 0 : i32
        %dma_start3A_162 = arith.constant 0 : i32
        %dma_start3A_163 = tpu.memref_slice %arg2[%dma_start3A_161, %dma_start3A_162] : memref<10240x128xf32, #tpu.memory_space<hbm>> -> memref<10240x128xf32, #tpu.memory_space<hbm>>
        tpu.enqueue_indirect_dma source(%dma_start3A_163 : memref<10240x128xf32, #tpu.memory_space<hbm>>) target(%arg10 : memref<128x128xf32, #tpu.memory_space<vmem>>) offsets(%dma_start3A_160 : memref<128xi32, #tpu.memory_space<vmem>>) semaphore(%arg13 : memref<!tpu.dma_semaphore, #tpu.memory_space<semaphore_mem>>)
      } else {
      }
      %lt3A_97 = arith.constant 79 : i32
      %lt3A_98 = arith.cmpi slt, %add3A_72, %lt3A_97 : i32
      %convert_element_type3A_99 = arith.extui %lt3A_98 : i1 to i32
      %cond3A_100 = arith.constant 0 : i32
      %cond3A_101 = arith.cmpi ne, %convert_element_type3A_99, %cond3A_100 : i32
      scf.if %cond3A_101 {
        %dma_start3A_137 = arith.constant 0 : i32
        %dma_start3A_138 = arith.constant 0 : i32
        %dma_start3A_139 = arith.constant 0 : i32
        %dma_start3A_140 = tpu.memref_slice %arg3[%add3A, %dma_start3A_137, %dma_start3A_138, %dma_start3A_139] : memref<32x79x2x128xi32, #tpu.memory_space<hbm>> -> memref<1x79x2x128xi32, #tpu.memory_space<hbm>>
        %dma_start3A_141 = tpu.memref_squeeze %dma_start3A_140 : memref<1x79x2x128xi32, #tpu.memory_space<hbm>> -> memref<79x2x128xi32, #tpu.memory_space<hbm>>
        %dma_start3A_142 = arith.constant 0 : i32
        %dma_start3A_143 = arith.constant 0 : i32
        %dma_start3A_144 = tpu.memref_slice %dma_start3A_141[%add3A_72, %dma_start3A_142, %dma_start3A_143] : memref<79x2x128xi32, #tpu.memory_space<hbm>> -> memref<1x2x128xi32, #tpu.memory_space<hbm>>
        %dma_start3A_145 = tpu.memref_squeeze %dma_start3A_144 : memref<1x2x128xi32, #tpu.memory_space<hbm>> -> memref<2x128xi32, #tpu.memory_space<hbm>>
        %dma_start3A_146 = arith.constant 0 : i32
        %dma_start3A_147 = arith.constant 0 : i32
        %dma_start3A_148 = arith.constant 0 : i32
        %dma_start3A_149 = tpu.memref_slice %arg3[%add3A, %dma_start3A_146, %dma_start3A_147, %dma_start3A_148] : memref<32x79x2x128xi32, #tpu.memory_space<hbm>> -> memref<1x79x2x128xi32, #tpu.memory_space<hbm>>
        %dma_start3A_150 = tpu.memref_squeeze %dma_start3A_149 : memref<1x79x2x128xi32, #tpu.memory_space<hbm>> -> memref<79x2x128xi32, #tpu.memory_space<hbm>>
        %dma_start3A_151 = arith.constant 0 : i32
        %dma_start3A_152 = arith.constant 0 : i32
        %dma_start3A_153 = tpu.memref_slice %dma_start3A_150[%add3A_72, %dma_start3A_151, %dma_start3A_152] : memref<79x2x128xi32, #tpu.memory_space<hbm>> -> memref<1x2x128xi32, #tpu.memory_space<hbm>>
        %dma_start3A_154 = tpu.memref_squeeze %dma_start3A_153 : memref<1x2x128xi32, #tpu.memory_space<hbm>> -> memref<2x128xi32, #tpu.memory_space<hbm>>
        tpu.enqueue_dma source(%dma_start3A_154 : memref<2x128xi32, #tpu.memory_space<hbm>>) target(%arg6 : memref<2x128xi32, #tpu.memory_space<vmem>>) target_semaphore(%arg15 : memref<!tpu.dma_semaphore, #tpu.memory_space<semaphore_mem>>)
      } else {
      }
      %lt3A_102 = arith.constant 79 : i32
      %lt3A_103 = arith.cmpi slt, %add3A_66, %lt3A_102 : i32
      %convert_element_type3A_104 = arith.extui %lt3A_103 : i1 to i32
      %cond3A_105 = arith.constant 0 : i32
      %cond3A_106 = arith.cmpi ne, %convert_element_type3A_104, %cond3A_105 : i32
      scf.if %cond3A_106 {
        %dma_wait3A_137 = arith.constant 0 : i32
        %dma_wait3A_138 = arith.constant 0 : i32
        %dma_wait3A_139 = tpu.memref_slice %arg2[%dma_wait3A_137, %dma_wait3A_138] : memref<10240x128xf32, #tpu.memory_space<hbm>> -> memref<128x128xf32, #tpu.memory_space<hbm>>
        %dma_wait3A_140 = arith.constant 0 : i32
        %dma_wait3A_141 = arith.constant 0 : i32
        %dma_wait3A_142 = tpu.memref_slice %arg2[%dma_wait3A_140, %dma_wait3A_141] : memref<10240x128xf32, #tpu.memory_space<hbm>> -> memref<128x128xf32, #tpu.memory_space<hbm>>
        tpu.wait_dma2 semaphore(%arg14 : memref<!tpu.dma_semaphore, #tpu.memory_space<semaphore_mem>>) src(%dma_wait3A_142 : memref<128x128xf32, #tpu.memory_space<hbm>>) dst(%arg11 : memref<128x128xf32, #tpu.memory_space<vmem>>)
        %run_scoped3A_143 = arith.constant 1 : i32
        "tpu.region"() ({
          %run_scoped3A_144 = tpu.sem_alloc : memref<!tpu.dma_semaphore, #tpu.memory_space<semaphore_mem>>
          %dma_start3A_145 = arith.constant 0 : i32
          %dma_start3A_146 = tpu.memref_slice %arg7[%run_scoped3A_143, %dma_start3A_145] : memref<2x128xi32, #tpu.memory_space<vmem>> -> memref<1x128xi32, #tpu.memory_space<vmem>>
          %dma_start3A_147 = tpu.memref_squeeze %dma_start3A_146 : memref<1x128xi32, #tpu.memory_space<vmem>> -> memref<128xi32, #tpu.memory_space<vmem>>
          %dma_start3A_148 = arith.constant 0 : i32
          %dma_start3A_149 = arith.constant 0 : i32
          %dma_start3A_150 = tpu.memref_slice %arg12[%dma_start3A_148, %dma_start3A_149] : memref<10240x128xf32, #tpu.memory_space<vmem_shared>> -> memref<10240x128xf32, #tpu.memory_space<vmem_shared>>
          tpu.enqueue_indirect_dma source(%arg11 : memref<128x128xf32, #tpu.memory_space<vmem>>) target(%dma_start3A_150 : memref<10240x128xf32, #tpu.memory_space<vmem_shared>>) offsets(%dma_start3A_147 : memref<128xi32, #tpu.memory_space<vmem>>) semaphore(%run_scoped3A_144 : memref<!tpu.dma_semaphore, #tpu.memory_space<semaphore_mem>>) {add = true}
          %dma_wait3A_151 = arith.constant 0 : i32
          %dma_wait3A_152 = tpu.memref_slice %arg7[%run_scoped3A_143, %dma_wait3A_151] : memref<2x128xi32, #tpu.memory_space<vmem>> -> memref<1x128xi32, #tpu.memory_space<vmem>>
          %dma_wait3A_153 = tpu.memref_squeeze %dma_wait3A_152 : memref<1x128xi32, #tpu.memory_space<vmem>> -> memref<128xi32, #tpu.memory_space<vmem>>
          %dma_wait3A_154 = arith.constant 0 : i32
          %dma_wait3A_155 = arith.constant 0 : i32
          %dma_wait3A_156 = tpu.memref_slice %arg12[%dma_wait3A_154, %dma_wait3A_155] : memref<10240x128xf32, #tpu.memory_space<vmem_shared>> -> memref<10240x128xf32, #tpu.memory_space<vmem_shared>>
          tpu.wait_indirect_dma semaphore(%run_scoped3A_144 : memref<!tpu.dma_semaphore, #tpu.memory_space<semaphore_mem>>) src(%arg11 : memref<128x128xf32, #tpu.memory_space<vmem>>) dst(%dma_wait3A_156 : memref<10240x128xf32, #tpu.memory_space<vmem_shared>>)
          tpu.yield
        }) : () -> ()
      } else {
      }
      %lt3A_107 = arith.constant 79 : i32
      %lt3A_108 = arith.cmpi slt, %add3A_70, %lt3A_107 : i32
      %convert_element_type3A_109 = arith.extui %lt3A_108 : i1 to i32
      %cond3A_110 = arith.constant 0 : i32
      %cond3A_111 = arith.cmpi ne, %convert_element_type3A_109, %cond3A_110 : i32
      scf.if %cond3A_111 {
        %dma_wait3A_137 = arith.constant 0 : i32
        %dma_wait3A_138 = arith.constant 0 : i32
        %dma_wait3A_139 = arith.constant 0 : i32
        %dma_wait3A_140 = arith.constant 0 : i32
        %dma_wait3A_141 = arith.constant 0 : i32
        %dma_wait3A_142 = tpu.memref_slice %arg3[%dma_wait3A_137, %dma_wait3A_139, %dma_wait3A_140, %dma_wait3A_141] : memref<32x79x2x128xi32, #tpu.memory_space<hbm>> -> memref<1x79x2x128xi32, #tpu.memory_space<hbm>>
        %dma_wait3A_143 = tpu.memref_squeeze %dma_wait3A_142 : memref<1x79x2x128xi32, #tpu.memory_space<hbm>> -> memref<79x2x128xi32, #tpu.memory_space<hbm>>
        %dma_wait3A_144 = arith.constant 0 : i32
        %dma_wait3A_145 = arith.constant 0 : i32
        %dma_wait3A_146 = tpu.memref_slice %dma_wait3A_143[%dma_wait3A_138, %dma_wait3A_144, %dma_wait3A_145] : memref<79x2x128xi32, #tpu.memory_space<hbm>> -> memref<1x2x128xi32, #tpu.memory_space<hbm>>
        %dma_wait3A_147 = tpu.memref_squeeze %dma_wait3A_146 : memref<1x2x128xi32, #tpu.memory_space<hbm>> -> memref<2x128xi32, #tpu.memory_space<hbm>>
        %dma_wait3A_148 = arith.constant 0 : i32
        %dma_wait3A_149 = arith.constant 0 : i32
        %dma_wait3A_150 = arith.constant 0 : i32
        %dma_wait3A_151 = tpu.memref_slice %arg3[%dma_wait3A_137, %dma_wait3A_148, %dma_wait3A_149, %dma_wait3A_150] : memref<32x79x2x128xi32, #tpu.memory_space<hbm>> -> memref<1x79x2x128xi32, #tpu.memory_space<hbm>>
        %dma_wait3A_152 = tpu.memref_squeeze %dma_wait3A_151 : memref<1x79x2x128xi32, #tpu.memory_space<hbm>> -> memref<79x2x128xi32, #tpu.memory_space<hbm>>
        %dma_wait3A_153 = arith.constant 0 : i32
        %dma_wait3A_154 = arith.constant 0 : i32
        %dma_wait3A_155 = tpu.memref_slice %dma_wait3A_152[%dma_wait3A_138, %dma_wait3A_153, %dma_wait3A_154] : memref<79x2x128xi32, #tpu.memory_space<hbm>> -> memref<1x2x128xi32, #tpu.memory_space<hbm>>
        %dma_wait3A_156 = tpu.memref_squeeze %dma_wait3A_155 : memref<1x2x128xi32, #tpu.memory_space<hbm>> -> memref<2x128xi32, #tpu.memory_space<hbm>>
        tpu.wait_dma2 semaphore(%arg18 : memref<!tpu.dma_semaphore, #tpu.memory_space<semaphore_mem>>) src(%dma_wait3A_156 : memref<2x128xi32, #tpu.memory_space<hbm>>) dst(%arg9 : memref<2x128xi32, #tpu.memory_space<vmem>>)
        %dma_start3A_157 = arith.constant 0 : i32
        %dma_start3A_158 = arith.constant 0 : i32
        %dma_start3A_159 = tpu.memref_slice %arg9[%dma_start3A_157, %dma_start3A_158] : memref<2x128xi32, #tpu.memory_space<vmem>> -> memref<1x128xi32, #tpu.memory_space<vmem>>
        %dma_start3A_160 = tpu.memref_squeeze %dma_start3A_159 : memref<1x128xi32, #tpu.memory_space<vmem>> -> memref<128xi32, #tpu.memory_space<vmem>>
        %dma_start3A_161 = arith.constant 0 : i32
        %dma_start3A_162 = arith.constant 0 : i32
        %dma_start3A_163 = tpu.memref_slice %arg2[%dma_start3A_161, %dma_start3A_162] : memref<10240x128xf32, #tpu.memory_space<hbm>> -> memref<10240x128xf32, #tpu.memory_space<hbm>>
        tpu.enqueue_indirect_dma source(%dma_start3A_163 : memref<10240x128xf32, #tpu.memory_space<hbm>>) target(%arg11 : memref<128x128xf32, #tpu.memory_space<vmem>>) offsets(%dma_start3A_160 : memref<128xi32, #tpu.memory_space<vmem>>) semaphore(%arg14 : memref<!tpu.dma_semaphore, #tpu.memory_space<semaphore_mem>>)
      } else {
      }
      %lt3A_112 = arith.constant 79 : i32
      %lt3A_113 = arith.cmpi slt, %add3A_74, %lt3A_112 : i32
      %convert_element_type3A_114 = arith.extui %lt3A_113 : i1 to i32
      %cond3A_115 = arith.constant 0 : i32
      %cond3A_116 = arith.cmpi ne, %convert_element_type3A_114, %cond3A_115 : i32
      scf.if %cond3A_116 {
        %dma_start3A_137 = arith.constant 0 : i32
        %dma_start3A_138 = arith.constant 0 : i32
        %dma_start3A_139 = arith.constant 0 : i32
        %dma_start3A_140 = tpu.memref_slice %arg3[%add3A, %dma_start3A_137, %dma_start3A_138, %dma_start3A_139] : memref<32x79x2x128xi32, #tpu.memory_space<hbm>> -> memref<1x79x2x128xi32, #tpu.memory_space<hbm>>
        %dma_start3A_141 = tpu.memref_squeeze %dma_start3A_140 : memref<1x79x2x128xi32, #tpu.memory_space<hbm>> -> memref<79x2x128xi32, #tpu.memory_space<hbm>>
        %dma_start3A_142 = arith.constant 0 : i32
        %dma_start3A_143 = arith.constant 0 : i32
        %dma_start3A_144 = tpu.memref_slice %dma_start3A_141[%add3A_74, %dma_start3A_142, %dma_start3A_143] : memref<79x2x128xi32, #tpu.memory_space<hbm>> -> memref<1x2x128xi32, #tpu.memory_space<hbm>>
        %dma_start3A_145 = tpu.memref_squeeze %dma_start3A_144 : memref<1x2x128xi32, #tpu.memory_space<hbm>> -> memref<2x128xi32, #tpu.memory_space<hbm>>
        %dma_start3A_146 = arith.constant 0 : i32
        %dma_start3A_147 = arith.constant 0 : i32
        %dma_start3A_148 = arith.constant 0 : i32
        %dma_start3A_149 = tpu.memref_slice %arg3[%add3A, %dma_start3A_146, %dma_start3A_147, %dma_start3A_148] : memref<32x79x2x128xi32, #tpu.memory_space<hbm>> -> memref<1x79x2x128xi32, #tpu.memory_space<hbm>>
        %dma_start3A_150 = tpu.memref_squeeze %dma_start3A_149 : memref<1x79x2x128xi32, #tpu.memory_space<hbm>> -> memref<79x2x128xi32, #tpu.memory_space<hbm>>
        %dma_start3A_151 = arith.constant 0 : i32
        %dma_start3A_152 = arith.constant 0 : i32
        %dma_start3A_153 = tpu.memref_slice %dma_start3A_150[%add3A_74, %dma_start3A_151, %dma_start3A_152] : memref<79x2x128xi32, #tpu.memory_space<hbm>> -> memref<1x2x128xi32, #tpu.memory_space<hbm>>
        %dma_start3A_154 = tpu.memref_squeeze %dma_start3A_153 : memref<1x2x128xi32, #tpu.memory_space<hbm>> -> memref<2x128xi32, #tpu.memory_space<hbm>>
        tpu.enqueue_dma source(%dma_start3A_154 : memref<2x128xi32, #tpu.memory_space<hbm>>) target(%arg7 : memref<2x128xi32, #tpu.memory_space<vmem>>) target_semaphore(%arg16 : memref<!tpu.dma_semaphore, #tpu.memory_space<semaphore_mem>>)
      } else {
      }
      %lt3A_117 = arith.constant 79 : i32
      %lt3A_118 = arith.cmpi slt, %add3A_68, %lt3A_117 : i32
      %convert_element_type3A_119 = arith.extui %lt3A_118 : i1 to i32
      %cond3A_120 = arith.constant 0 : i32
      %cond3A_121 = arith.cmpi ne, %convert_element_type3A_119, %cond3A_120 : i32
      scf.if %cond3A_121 {
        %dma_wait3A_137 = arith.constant 0 : i32
        %dma_wait3A_138 = arith.constant 0 : i32
        %dma_wait3A_139 = tpu.memref_slice %arg2[%dma_wait3A_137, %dma_wait3A_138] : memref<10240x128xf32, #tpu.memory_space<hbm>> -> memref<128x128xf32, #tpu.memory_space<hbm>>
        %dma_wait3A_140 = arith.constant 0 : i32
        %dma_wait3A_141 = arith.constant 0 : i32
        %dma_wait3A_142 = tpu.memref_slice %arg2[%dma_wait3A_140, %dma_wait3A_141] : memref<10240x128xf32, #tpu.memory_space<hbm>> -> memref<128x128xf32, #tpu.memory_space<hbm>>
        tpu.wait_dma2 semaphore(%arg13 : memref<!tpu.dma_semaphore, #tpu.memory_space<semaphore_mem>>) src(%dma_wait3A_142 : memref<128x128xf32, #tpu.memory_space<hbm>>) dst(%arg10 : memref<128x128xf32, #tpu.memory_space<vmem>>)
        %run_scoped3A_143 = arith.constant 1 : i32
        "tpu.region"() ({
          %run_scoped3A_144 = tpu.sem_alloc : memref<!tpu.dma_semaphore, #tpu.memory_space<semaphore_mem>>
          %dma_start3A_145 = arith.constant 0 : i32
          %dma_start3A_146 = tpu.memref_slice %arg8[%run_scoped3A_143, %dma_start3A_145] : memref<2x128xi32, #tpu.memory_space<vmem>> -> memref<1x128xi32, #tpu.memory_space<vmem>>
          %dma_start3A_147 = tpu.memref_squeeze %dma_start3A_146 : memref<1x128xi32, #tpu.memory_space<vmem>> -> memref<128xi32, #tpu.memory_space<vmem>>
          %dma_start3A_148 = arith.constant 0 : i32
          %dma_start3A_149 = arith.constant 0 : i32
          %dma_start3A_150 = tpu.memref_slice %arg12[%dma_start3A_148, %dma_start3A_149] : memref<10240x128xf32, #tpu.memory_space<vmem_shared>> -> memref<10240x128xf32, #tpu.memory_space<vmem_shared>>
          tpu.enqueue_indirect_dma source(%arg10 : memref<128x128xf32, #tpu.memory_space<vmem>>) target(%dma_start3A_150 : memref<10240x128xf32, #tpu.memory_space<vmem_shared>>) offsets(%dma_start3A_147 : memref<128xi32, #tpu.memory_space<vmem>>) semaphore(%run_scoped3A_144 : memref<!tpu.dma_semaphore, #tpu.memory_space<semaphore_mem>>) {add = true}
          %dma_wait3A_151 = arith.constant 0 : i32
          %dma_wait3A_152 = tpu.memref_slice %arg8[%run_scoped3A_143, %dma_wait3A_151] : memref<2x128xi32, #tpu.memory_space<vmem>> -> memref<1x128xi32, #tpu.memory_space<vmem>>
          %dma_wait3A_153 = tpu.memref_squeeze %dma_wait3A_152 : memref<1x128xi32, #tpu.memory_space<vmem>> -> memref<128xi32, #tpu.memory_space<vmem>>
          %dma_wait3A_154 = arith.constant 0 : i32
          %dma_wait3A_155 = arith.constant 0 : i32
          %dma_wait3A_156 = tpu.memref_slice %arg12[%dma_wait3A_154, %dma_wait3A_155] : memref<10240x128xf32, #tpu.memory_space<vmem_shared>> -> memref<10240x128xf32, #tpu.memory_space<vmem_shared>>
          tpu.wait_indirect_dma semaphore(%run_scoped3A_144 : memref<!tpu.dma_semaphore, #tpu.memory_space<semaphore_mem>>) src(%arg10 : memref<128x128xf32, #tpu.memory_space<vmem>>) dst(%dma_wait3A_156 : memref<10240x128xf32, #tpu.memory_space<vmem_shared>>)
          tpu.yield
        }) : () -> ()
      } else {
      }
      %lt3A_122 = arith.constant 79 : i32
      %lt3A_123 = arith.cmpi slt, %add3A_76, %lt3A_122 : i32
      %convert_element_type3A_124 = arith.extui %lt3A_123 : i1 to i32
      %cond3A_125 = arith.constant 0 : i32
      %cond3A_126 = arith.cmpi ne, %convert_element_type3A_124, %cond3A_125 : i32
      scf.if %cond3A_126 {
        %dma_start3A_137 = arith.constant 0 : i32
        %dma_start3A_138 = arith.constant 0 : i32
        %dma_start3A_139 = arith.constant 0 : i32
        %dma_start3A_140 = tpu.memref_slice %arg3[%add3A, %dma_start3A_137, %dma_start3A_138, %dma_start3A_139] : memref<32x79x2x128xi32, #tpu.memory_space<hbm>> -> memref<1x79x2x128xi32, #tpu.memory_space<hbm>>
        %dma_start3A_141 = tpu.memref_squeeze %dma_start3A_140 : memref<1x79x2x128xi32, #tpu.memory_space<hbm>> -> memref<79x2x128xi32, #tpu.memory_space<hbm>>
        %dma_start3A_142 = arith.constant 0 : i32
        %dma_start3A_143 = arith.constant 0 : i32
        %dma_start3A_144 = tpu.memref_slice %dma_start3A_141[%add3A_76, %dma_start3A_142, %dma_start3A_143] : memref<79x2x128xi32, #tpu.memory_space<hbm>> -> memref<1x2x128xi32, #tpu.memory_space<hbm>>
        %dma_start3A_145 = tpu.memref_squeeze %dma_start3A_144 : memref<1x2x128xi32, #tpu.memory_space<hbm>> -> memref<2x128xi32, #tpu.memory_space<hbm>>
        %dma_start3A_146 = arith.constant 0 : i32
        %dma_start3A_147 = arith.constant 0 : i32
        %dma_start3A_148 = arith.constant 0 : i32
        %dma_start3A_149 = tpu.memref_slice %arg3[%add3A, %dma_start3A_146, %dma_start3A_147, %dma_start3A_148] : memref<32x79x2x128xi32, #tpu.memory_space<hbm>> -> memref<1x79x2x128xi32, #tpu.memory_space<hbm>>
        %dma_start3A_150 = tpu.memref_squeeze %dma_start3A_149 : memref<1x79x2x128xi32, #tpu.memory_space<hbm>> -> memref<79x2x128xi32, #tpu.memory_space<hbm>>
        %dma_start3A_151 = arith.constant 0 : i32
        %dma_start3A_152 = arith.constant 0 : i32
        %dma_start3A_153 = tpu.memref_slice %dma_start3A_150[%add3A_76, %dma_start3A_151, %dma_start3A_152] : memref<79x2x128xi32, #tpu.memory_space<hbm>> -> memref<1x2x128xi32, #tpu.memory_space<hbm>>
        %dma_start3A_154 = tpu.memref_squeeze %dma_start3A_153 : memref<1x2x128xi32, #tpu.memory_space<hbm>> -> memref<2x128xi32, #tpu.memory_space<hbm>>
        tpu.enqueue_dma source(%dma_start3A_154 : memref<2x128xi32, #tpu.memory_space<hbm>>) target(%arg8 : memref<2x128xi32, #tpu.memory_space<vmem>>) target_semaphore(%arg17 : memref<!tpu.dma_semaphore, #tpu.memory_space<semaphore_mem>>)
      } else {
      }
      %lt3A_127 = arith.constant 79 : i32
      %lt3A_128 = arith.cmpi slt, %add3A_72, %lt3A_127 : i32
      %convert_element_type3A_129 = arith.extui %lt3A_128 : i1 to i32
      %cond3A_130 = arith.constant 0 : i32
      %cond3A_131 = arith.cmpi ne, %convert_element_type3A_129, %cond3A_130 : i32
      scf.if %cond3A_131 {
        %dma_wait3A_137 = arith.constant 0 : i32
        %dma_wait3A_138 = arith.constant 0 : i32
        %dma_wait3A_139 = arith.constant 0 : i32
        %dma_wait3A_140 = arith.constant 0 : i32
        %dma_wait3A_141 = arith.constant 0 : i32
        %dma_wait3A_142 = tpu.memref_slice %arg3[%dma_wait3A_137, %dma_wait3A_139, %dma_wait3A_140, %dma_wait3A_141] : memref<32x79x2x128xi32, #tpu.memory_space<hbm>> -> memref<1x79x2x128xi32, #tpu.memory_space<hbm>>
        %dma_wait3A_143 = tpu.memref_squeeze %dma_wait3A_142 : memref<1x79x2x128xi32, #tpu.memory_space<hbm>> -> memref<79x2x128xi32, #tpu.memory_space<hbm>>
        %dma_wait3A_144 = arith.constant 0 : i32
        %dma_wait3A_145 = arith.constant 0 : i32
        %dma_wait3A_146 = tpu.memref_slice %dma_wait3A_143[%dma_wait3A_138, %dma_wait3A_144, %dma_wait3A_145] : memref<79x2x128xi32, #tpu.memory_space<hbm>> -> memref<1x2x128xi32, #tpu.memory_space<hbm>>
        %dma_wait3A_147 = tpu.memref_squeeze %dma_wait3A_146 : memref<1x2x128xi32, #tpu.memory_space<hbm>> -> memref<2x128xi32, #tpu.memory_space<hbm>>
        %dma_wait3A_148 = arith.constant 0 : i32
        %dma_wait3A_149 = arith.constant 0 : i32
        %dma_wait3A_150 = arith.constant 0 : i32
        %dma_wait3A_151 = tpu.memref_slice %arg3[%dma_wait3A_137, %dma_wait3A_148, %dma_wait3A_149, %dma_wait3A_150] : memref<32x79x2x128xi32, #tpu.memory_space<hbm>> -> memref<1x79x2x128xi32, #tpu.memory_space<hbm>>
        %dma_wait3A_152 = tpu.memref_squeeze %dma_wait3A_151 : memref<1x79x2x128xi32, #tpu.memory_space<hbm>> -> memref<79x2x128xi32, #tpu.memory_space<hbm>>
        %dma_wait3A_153 = arith.constant 0 : i32
        %dma_wait3A_154 = arith.constant 0 : i32
        %dma_wait3A_155 = tpu.memref_slice %dma_wait3A_152[%dma_wait3A_138, %dma_wait3A_153, %dma_wait3A_154] : memref<79x2x128xi32, #tpu.memory_space<hbm>> -> memref<1x2x128xi32, #tpu.memory_space<hbm>>
        %dma_wait3A_156 = tpu.memref_squeeze %dma_wait3A_155 : memref<1x2x128xi32, #tpu.memory_space<hbm>> -> memref<2x128xi32, #tpu.memory_space<hbm>>
        tpu.wait_dma2 semaphore(%arg15 : memref<!tpu.dma_semaphore, #tpu.memory_space<semaphore_mem>>) src(%dma_wait3A_156 : memref<2x128xi32, #tpu.memory_space<hbm>>) dst(%arg6 : memref<2x128xi32, #tpu.memory_space<vmem>>)
        %dma_start3A_157 = arith.constant 0 : i32
        %dma_start3A_158 = arith.constant 0 : i32
        %dma_start3A_159 = tpu.memref_slice %arg6[%dma_start3A_157, %dma_start3A_158] : memref<2x128xi32, #tpu.memory_space<vmem>> -> memref<1x128xi32, #tpu.memory_space<vmem>>
        %dma_start3A_160 = tpu.memref_squeeze %dma_start3A_159 : memref<1x128xi32, #tpu.memory_space<vmem>> -> memref<128xi32, #tpu.memory_space<vmem>>
        %dma_start3A_161 = arith.constant 0 : i32
        %dma_start3A_162 = arith.constant 0 : i32
        %dma_start3A_163 = tpu.memref_slice %arg2[%dma_start3A_161, %dma_start3A_162] : memref<10240x128xf32, #tpu.memory_space<hbm>> -> memref<10240x128xf32, #tpu.memory_space<hbm>>
        tpu.enqueue_indirect_dma source(%dma_start3A_163 : memref<10240x128xf32, #tpu.memory_space<hbm>>) target(%arg10 : memref<128x128xf32, #tpu.memory_space<vmem>>) offsets(%dma_start3A_160 : memref<128xi32, #tpu.memory_space<vmem>>) semaphore(%arg13 : memref<!tpu.dma_semaphore, #tpu.memory_space<semaphore_mem>>)
      } else {
      }
      %lt3A_132 = arith.constant 79 : i32
      %lt3A_133 = arith.cmpi slt, %add3A_70, %lt3A_132 : i32
      %convert_element_type3A_134 = arith.extui %lt3A_133 : i1 to i32
      %cond3A_135 = arith.constant 0 : i32
      %cond3A_136 = arith.cmpi ne, %convert_element_type3A_134, %cond3A_135 : i32
      scf.if %cond3A_136 {
        %dma_wait3A_137 = arith.constant 0 : i32
        %dma_wait3A_138 = arith.constant 0 : i32
        %dma_wait3A_139 = tpu.memref_slice %arg2[%dma_wait3A_137, %dma_wait3A_138] : memref<10240x128xf32, #tpu.memory_space<hbm>> -> memref<128x128xf32, #tpu.memory_space<hbm>>
        %dma_wait3A_140 = arith.constant 0 : i32
        %dma_wait3A_141 = arith.constant 0 : i32
        %dma_wait3A_142 = tpu.memref_slice %arg2[%dma_wait3A_140, %dma_wait3A_141] : memref<10240x128xf32, #tpu.memory_space<hbm>> -> memref<128x128xf32, #tpu.memory_space<hbm>>
        tpu.wait_dma2 semaphore(%arg14 : memref<!tpu.dma_semaphore, #tpu.memory_space<semaphore_mem>>) src(%dma_wait3A_142 : memref<128x128xf32, #tpu.memory_space<hbm>>) dst(%arg11 : memref<128x128xf32, #tpu.memory_space<vmem>>)
        %run_scoped3A_143 = arith.constant 1 : i32
        "tpu.region"() ({
          %run_scoped3A_144 = tpu.sem_alloc : memref<!tpu.dma_semaphore, #tpu.memory_space<semaphore_mem>>
          %dma_start3A_145 = arith.constant 0 : i32
          %dma_start3A_146 = tpu.memref_slice %arg9[%run_scoped3A_143, %dma_start3A_145] : memref<2x128xi32, #tpu.memory_space<vmem>> -> memref<1x128xi32, #tpu.memory_space<vmem>>
          %dma_start3A_147 = tpu.memref_squeeze %dma_start3A_146 : memref<1x128xi32, #tpu.memory_space<vmem>> -> memref<128xi32, #tpu.memory_space<vmem>>
          %dma_start3A_148 = arith.constant 0 : i32
          %dma_start3A_149 = arith.constant 0 : i32
          %dma_start3A_150 = tpu.memref_slice %arg12[%dma_start3A_148, %dma_start3A_149] : memref<10240x128xf32, #tpu.memory_space<vmem_shared>> -> memref<10240x128xf32, #tpu.memory_space<vmem_shared>>
          tpu.enqueue_indirect_dma source(%arg11 : memref<128x128xf32, #tpu.memory_space<vmem>>) target(%dma_start3A_150 : memref<10240x128xf32, #tpu.memory_space<vmem_shared>>) offsets(%dma_start3A_147 : memref<128xi32, #tpu.memory_space<vmem>>) semaphore(%run_scoped3A_144 : memref<!tpu.dma_semaphore, #tpu.memory_space<semaphore_mem>>) {add = true}
          %dma_wait3A_151 = arith.constant 0 : i32
          %dma_wait3A_152 = tpu.memref_slice %arg9[%run_scoped3A_143, %dma_wait3A_151] : memref<2x128xi32, #tpu.memory_space<vmem>> -> memref<1x128xi32, #tpu.memory_space<vmem>>
          %dma_wait3A_153 = tpu.memref_squeeze %dma_wait3A_152 : memref<1x128xi32, #tpu.memory_space<vmem>> -> memref<128xi32, #tpu.memory_space<vmem>>
          %dma_wait3A_154 = arith.constant 0 : i32
          %dma_wait3A_155 = arith.constant 0 : i32
          %dma_wait3A_156 = tpu.memref_slice %arg12[%dma_wait3A_154, %dma_wait3A_155] : memref<10240x128xf32, #tpu.memory_space<vmem_shared>> -> memref<10240x128xf32, #tpu.memory_space<vmem_shared>>
          tpu.wait_indirect_dma semaphore(%run_scoped3A_144 : memref<!tpu.dma_semaphore, #tpu.memory_space<semaphore_mem>>) src(%arg11 : memref<128x128xf32, #tpu.memory_space<vmem>>) dst(%dma_wait3A_156 : memref<10240x128xf32, #tpu.memory_space<vmem_shared>>)
          tpu.yield
        }) : () -> ()
      } else {
      }
    }
    %scan3A_56 = arith.constant 20 : i32
    %barrier3A_57 = arith.constant 0 : index
    tpu.barrier barrier_id(%barrier3A_57)
    %mul3A_58 = arith.constant 640 : i32
    %mul3A_59 = arith.muli %arg1, %mul3A_58 : i32
    %mul3A_60 = arith.constant 640 : i32
    %mul3A_61 = arith.muli %arg1, %mul3A_60 : i32
    "tpu.region"() ({
      %run_scoped3A_62 = tpu.sem_alloc : memref<!tpu.dma_semaphore, #tpu.memory_space<semaphore_mem>>
      %dma_start3A_63 = arith.constant 0 : i32
      %dma_start3A_64 = arith.constant 0 : i32
      %dma_start3A_65 = tpu.memref_slice %arg5[%arg0, %dma_start3A_63, %dma_start3A_64] : memref<2x10240x128xf32, #tpu.memory_space<hbm>> -> memref<1x10240x128xf32, #tpu.memory_space<hbm>>
      %dma_start3A_66 = tpu.memref_squeeze %dma_start3A_65 : memref<1x10240x128xf32, #tpu.memory_space<hbm>> -> memref<10240x128xf32, #tpu.memory_space<hbm>>
      %dma_start3A_67 = arith.constant 0 : i32
      %dma_start3A_68 = tpu.memref_slice %dma_start3A_66[%mul3A_61, %dma_start3A_67] : memref<10240x128xf32, #tpu.memory_space<hbm>> -> memref<640x128xf32, #tpu.memory_space<hbm>>
      %dma_start3A_69 = arith.constant 0 : i32
      %dma_start3A_70 = tpu.memref_slice %arg12[%mul3A_59, %dma_start3A_69] : memref<10240x128xf32, #tpu.memory_space<vmem_shared>> -> memref<640x128xf32, #tpu.memory_space<vmem_shared>>
      tpu.enqueue_dma source(%dma_start3A_70 : memref<640x128xf32, #tpu.memory_space<vmem_shared>>) target(%dma_start3A_68 : memref<640x128xf32, #tpu.memory_space<hbm>>) target_semaphore(%run_scoped3A_62 : memref<!tpu.dma_semaphore, #tpu.memory_space<semaphore_mem>>)
      %dma_wait3A = arith.constant 0 : i32
      %dma_wait3A_71 = arith.constant 0 : i32
      %dma_wait3A_72 = tpu.memref_slice %arg5[%arg0, %dma_wait3A, %dma_wait3A_71] : memref<2x10240x128xf32, #tpu.memory_space<hbm>> -> memref<1x10240x128xf32, #tpu.memory_space<hbm>>
      %dma_wait3A_73 = tpu.memref_squeeze %dma_wait3A_72 : memref<1x10240x128xf32, #tpu.memory_space<hbm>> -> memref<10240x128xf32, #tpu.memory_space<hbm>>
      %dma_wait3A_74 = arith.constant 0 : i32
      %dma_wait3A_75 = tpu.memref_slice %dma_wait3A_73[%mul3A_61, %dma_wait3A_74] : memref<10240x128xf32, #tpu.memory_space<hbm>> -> memref<640x128xf32, #tpu.memory_space<hbm>>
      %dma_wait3A_76 = arith.constant 0 : i32
      %dma_wait3A_77 = tpu.memref_slice %arg12[%mul3A_59, %dma_wait3A_76] : memref<10240x128xf32, #tpu.memory_space<vmem_shared>> -> memref<640x128xf32, #tpu.memory_space<vmem_shared>>
      tpu.wait_dma2 semaphore(%run_scoped3A_62 : memref<!tpu.dma_semaphore, #tpu.memory_space<semaphore_mem>>) src(%dma_wait3A_77 : memref<640x128xf32, #tpu.memory_space<vmem_shared>>) dst(%dma_wait3A_75 : memref<640x128xf32, #tpu.memory_space<hbm>>)
      tpu.yield
    }) : () -> ()
    return
  }
}

#map = affine_map<(d0, d1) -> (0, 0, 0, 0)>
#map1 = affine_map<(d0, d1) -> (0, 0)>
module attributes {stable_mosaic.version = 14 : i64} {
  func.func @hist_kernel(%arg0: i32, %arg1: i32, %arg2: memref<32x79x2x128xi32, #tpu.memory_space<hbm>>, %arg3: memref<32x10240xf32, #tpu.memory_space<hbm>>, %arg4: memref<79x2x128xi32, #tpu.memory_space<vmem>>, %arg5: memref<10240xf32, #tpu.memory_space<vmem>>) attributes {dimension_semantics = [#tpu.dimension_semantics<core_parallel>, #tpu.dimension_semantics<subcore_parallel>], iteration_bounds = array<i64: 2, 16>, scalar_prefetch = 0 : i64, scratch_operands = 2 : i64, tpu.core_type = #tpu.core_type<sc_vector_subcore>, window_params = [{transform_indices = #map}, {transform_indices = #map1}]} {
    %mul3A = arith.constant 2 : i32
    %mul3A_0 = arith.muli %arg1, %mul3A : i32
    %add3A = arith.addi %mul3A_0, %arg0 : i32
    %scan3A = arith.constant 0 : i32
    %scan3A_1 = arith.constant 0 : i32
    %scan3A_2 = arith.constant 80 : i32
    %scan3A_3 = arith.addi %scan3A_1, %scan3A_2 : i32
    %scan3A_4 = arith.constant 1 : i32
    scf.for %scan3A_13 = %scan3A_1 to %scan3A_3 step %scan3A_4  : i32 {
      %broadcast_in_dim3A_14 = arith.constant 0.000000e+00 : f32
      %broadcast_in_dim3A_15 = vector.broadcast %broadcast_in_dim3A_14 : f32 to vector<16xf32>
      %mul3A_16 = arith.constant 128 : i32
      %mul3A_17 = arith.muli %scan3A_13, %mul3A_16 : i32
      %add3A_18 = arith.constant 0 : i32
      %add3A_19 = arith.addi %mul3A_17, %add3A_18 : i32
      %swap3A = arith.index_cast %add3A_19 : i32 to index
      %swap3A_20 = tpu.vector_load %arg5[%swap3A] {strides = array<i32>} : memref<10240xf32, #tpu.memory_space<vmem>>, vector<16xf32>,
      tpu.vector_store %arg5[%swap3A], %broadcast_in_dim3A_15 {strides = array<i32>} : memref<10240xf32, #tpu.memory_space<vmem>>, vector<16xf32>,
      %mul3A_21 = arith.constant 128 : i32
      %mul3A_22 = arith.muli %scan3A_13, %mul3A_21 : i32
      %add3A_23 = arith.constant 16 : i32
      %add3A_24 = arith.addi %mul3A_22, %add3A_23 : i32
      %swap3A_25 = arith.index_cast %add3A_24 : i32 to index
      %swap3A_26 = tpu.vector_load %arg5[%swap3A_25] {strides = array<i32>} : memref<10240xf32, #tpu.memory_space<vmem>>, vector<16xf32>,
      tpu.vector_store %arg5[%swap3A_25], %broadcast_in_dim3A_15 {strides = array<i32>} : memref<10240xf32, #tpu.memory_space<vmem>>, vector<16xf32>,
      %mul3A_27 = arith.constant 128 : i32
      %mul3A_28 = arith.muli %scan3A_13, %mul3A_27 : i32
      %add3A_29 = arith.constant 32 : i32
      %add3A_30 = arith.addi %mul3A_28, %add3A_29 : i32
      %swap3A_31 = arith.index_cast %add3A_30 : i32 to index
      %swap3A_32 = tpu.vector_load %arg5[%swap3A_31] {strides = array<i32>} : memref<10240xf32, #tpu.memory_space<vmem>>, vector<16xf32>,
      tpu.vector_store %arg5[%swap3A_31], %broadcast_in_dim3A_15 {strides = array<i32>} : memref<10240xf32, #tpu.memory_space<vmem>>, vector<16xf32>,
      %mul3A_33 = arith.constant 128 : i32
      %mul3A_34 = arith.muli %scan3A_13, %mul3A_33 : i32
      %add3A_35 = arith.constant 48 : i32
      %add3A_36 = arith.addi %mul3A_34, %add3A_35 : i32
      %swap3A_37 = arith.index_cast %add3A_36 : i32 to index
      %swap3A_38 = tpu.vector_load %arg5[%swap3A_37] {strides = array<i32>} : memref<10240xf32, #tpu.memory_space<vmem>>, vector<16xf32>,
      tpu.vector_store %arg5[%swap3A_37], %broadcast_in_dim3A_15 {strides = array<i32>} : memref<10240xf32, #tpu.memory_space<vmem>>, vector<16xf32>,
      %mul3A_39 = arith.constant 128 : i32
      %mul3A_40 = arith.muli %scan3A_13, %mul3A_39 : i32
      %add3A_41 = arith.constant 64 : i32
      %add3A_42 = arith.addi %mul3A_40, %add3A_41 : i32
      %swap3A_43 = arith.index_cast %add3A_42 : i32 to index
      %swap3A_44 = tpu.vector_load %arg5[%swap3A_43] {strides = array<i32>} : memref<10240xf32, #tpu.memory_space<vmem>>, vector<16xf32>,
      tpu.vector_store %arg5[%swap3A_43], %broadcast_in_dim3A_15 {strides = array<i32>} : memref<10240xf32, #tpu.memory_space<vmem>>, vector<16xf32>,
      %mul3A_45 = arith.constant 128 : i32
      %mul3A_46 = arith.muli %scan3A_13, %mul3A_45 : i32
      %add3A_47 = arith.constant 80 : i32
      %add3A_48 = arith.addi %mul3A_46, %add3A_47 : i32
      %swap3A_49 = arith.index_cast %add3A_48 : i32 to index
      %swap3A_50 = tpu.vector_load %arg5[%swap3A_49] {strides = array<i32>} : memref<10240xf32, #tpu.memory_space<vmem>>, vector<16xf32>,
      tpu.vector_store %arg5[%swap3A_49], %broadcast_in_dim3A_15 {strides = array<i32>} : memref<10240xf32, #tpu.memory_space<vmem>>, vector<16xf32>,
      %mul3A_51 = arith.constant 128 : i32
      %mul3A_52 = arith.muli %scan3A_13, %mul3A_51 : i32
      %add3A_53 = arith.constant 96 : i32
      %add3A_54 = arith.addi %mul3A_52, %add3A_53 : i32
      %swap3A_55 = arith.index_cast %add3A_54 : i32 to index
      %swap3A_56 = tpu.vector_load %arg5[%swap3A_55] {strides = array<i32>} : memref<10240xf32, #tpu.memory_space<vmem>>, vector<16xf32>,
      tpu.vector_store %arg5[%swap3A_55], %broadcast_in_dim3A_15 {strides = array<i32>} : memref<10240xf32, #tpu.memory_space<vmem>>, vector<16xf32>,
      %mul3A_57 = arith.constant 128 : i32
      %mul3A_58 = arith.muli %scan3A_13, %mul3A_57 : i32
      %add3A_59 = arith.constant 112 : i32
      %add3A_60 = arith.addi %mul3A_58, %add3A_59 : i32
      %swap3A_61 = arith.index_cast %add3A_60 : i32 to index
      %swap3A_62 = tpu.vector_load %arg5[%swap3A_61] {strides = array<i32>} : memref<10240xf32, #tpu.memory_space<vmem>>, vector<16xf32>,
      tpu.vector_store %arg5[%swap3A_61], %broadcast_in_dim3A_15 {strides = array<i32>} : memref<10240xf32, #tpu.memory_space<vmem>>, vector<16xf32>,
    }
    %scan3A_5 = arith.constant 80 : i32
    "tpu.region"() ({
      %run_scoped3A = tpu.sem_alloc : memref<!tpu.dma_semaphore, #tpu.memory_space<semaphore_mem>>
      %dma_start3A = arith.constant 0 : i32
      %dma_start3A_13 = arith.constant 0 : i32
      %dma_start3A_14 = arith.constant 0 : i32
      %dma_start3A_15 = tpu.memref_slice %arg2[%add3A, %dma_start3A, %dma_start3A_13, %dma_start3A_14] : memref<32x79x2x128xi32, #tpu.memory_space<hbm>> -> memref<1x79x2x128xi32, #tpu.memory_space<hbm>>
      %dma_start3A_16 = tpu.memref_squeeze %dma_start3A_15 : memref<1x79x2x128xi32, #tpu.memory_space<hbm>> -> memref<79x2x128xi32, #tpu.memory_space<hbm>>
      %dma_start3A_17 = arith.constant 0 : i32
      %dma_start3A_18 = arith.constant 0 : i32
      %dma_start3A_19 = arith.constant 0 : i32
      %dma_start3A_20 = tpu.memref_slice %arg2[%add3A, %dma_start3A_17, %dma_start3A_18, %dma_start3A_19] : memref<32x79x2x128xi32, #tpu.memory_space<hbm>> -> memref<1x79x2x128xi32, #tpu.memory_space<hbm>>
      %dma_start3A_21 = tpu.memref_squeeze %dma_start3A_20 : memref<1x79x2x128xi32, #tpu.memory_space<hbm>> -> memref<79x2x128xi32, #tpu.memory_space<hbm>>
      tpu.enqueue_dma source(%dma_start3A_21 : memref<79x2x128xi32, #tpu.memory_space<hbm>>) target(%arg4 : memref<79x2x128xi32, #tpu.memory_space<vmem>>) target_semaphore(%run_scoped3A : memref<!tpu.dma_semaphore, #tpu.memory_space<semaphore_mem>>)
      %dma_wait3A = arith.constant 0 : i32
      %dma_wait3A_22 = arith.constant 0 : i32
      %dma_wait3A_23 = arith.constant 0 : i32
      %dma_wait3A_24 = tpu.memref_slice %arg2[%add3A, %dma_wait3A, %dma_wait3A_22, %dma_wait3A_23] : memref<32x79x2x128xi32, #tpu.memory_space<hbm>> -> memref<1x79x2x128xi32, #tpu.memory_space<hbm>>
      %dma_wait3A_25 = tpu.memref_squeeze %dma_wait3A_24 : memref<1x79x2x128xi32, #tpu.memory_space<hbm>> -> memref<79x2x128xi32, #tpu.memory_space<hbm>>
      %dma_wait3A_26 = arith.constant 0 : i32
      %dma_wait3A_27 = arith.constant 0 : i32
      %dma_wait3A_28 = arith.constant 0 : i32
      %dma_wait3A_29 = tpu.memref_slice %arg2[%add3A, %dma_wait3A_26, %dma_wait3A_27, %dma_wait3A_28] : memref<32x79x2x128xi32, #tpu.memory_space<hbm>> -> memref<1x79x2x128xi32, #tpu.memory_space<hbm>>
      %dma_wait3A_30 = tpu.memref_squeeze %dma_wait3A_29 : memref<1x79x2x128xi32, #tpu.memory_space<hbm>> -> memref<79x2x128xi32, #tpu.memory_space<hbm>>
      tpu.wait_dma2 semaphore(%run_scoped3A : memref<!tpu.dma_semaphore, #tpu.memory_space<semaphore_mem>>) src(%dma_wait3A_30 : memref<79x2x128xi32, #tpu.memory_space<hbm>>) dst(%arg4 : memref<79x2x128xi32, #tpu.memory_space<vmem>>)
      tpu.yield
    }) : () -> ()
    %broadcast_in_dim3A = arith.constant 1.000000e+00 : f32
    %broadcast_in_dim3A_6 = vector.broadcast %broadcast_in_dim3A : f32 to vector<16xf32>
    %scan3A_7 = arith.constant 0 : i32
    %scan3A_8 = arith.constant 0 : i32
    %scan3A_9 = arith.constant 79 : i32
    %scan3A_10 = arith.addi %scan3A_8, %scan3A_9 : i32
    %scan3A_11 = arith.constant 1 : i32
    scf.for %scan3A_13 = %scan3A_8 to %scan3A_10 step %scan3A_11  : i32 {
      %get3A = arith.constant 1 : i32
      %get3A_14 = arith.index_cast %scan3A_13 : i32 to index
      %get3A_15 = arith.index_cast %get3A : i32 to index
      %get3A_16 = arith.constant 0 : index
      %get3A_17 = tpu.vector_load %arg4[%get3A_14, %get3A_15, %get3A_16] {strides = array<i32>} : memref<79x2x128xi32, #tpu.memory_space<vmem>>, vector<16xi32>,
      tpu.vector_store_idx %arg5[%get3A_17], %broadcast_in_dim3A_6 {add = true} : memref<10240xf32, #tpu.memory_space<vmem>>[vector<16xi32>], vector<16xf32>,
      %get3A_18 = arith.constant 1 : i32
      %get3A_19 = arith.index_cast %scan3A_13 : i32 to index
      %get3A_20 = arith.index_cast %get3A_18 : i32 to index
      %get3A_21 = arith.constant 16 : index
      %get3A_22 = tpu.vector_load %arg4[%get3A_19, %get3A_20, %get3A_21] {strides = array<i32>} : memref<79x2x128xi32, #tpu.memory_space<vmem>>, vector<16xi32>,
      tpu.vector_store_idx %arg5[%get3A_22], %broadcast_in_dim3A_6 {add = true} : memref<10240xf32, #tpu.memory_space<vmem>>[vector<16xi32>], vector<16xf32>,
      %get3A_23 = arith.constant 1 : i32
      %get3A_24 = arith.index_cast %scan3A_13 : i32 to index
      %get3A_25 = arith.index_cast %get3A_23 : i32 to index
      %get3A_26 = arith.constant 32 : index
      %get3A_27 = tpu.vector_load %arg4[%get3A_24, %get3A_25, %get3A_26] {strides = array<i32>} : memref<79x2x128xi32, #tpu.memory_space<vmem>>, vector<16xi32>,
      tpu.vector_store_idx %arg5[%get3A_27], %broadcast_in_dim3A_6 {add = true} : memref<10240xf32, #tpu.memory_space<vmem>>[vector<16xi32>], vector<16xf32>,
      %get3A_28 = arith.constant 1 : i32
      %get3A_29 = arith.index_cast %scan3A_13 : i32 to index
      %get3A_30 = arith.index_cast %get3A_28 : i32 to index
      %get3A_31 = arith.constant 48 : index
      %get3A_32 = tpu.vector_load %arg4[%get3A_29, %get3A_30, %get3A_31] {strides = array<i32>} : memref<79x2x128xi32, #tpu.memory_space<vmem>>, vector<16xi32>,
      tpu.vector_store_idx %arg5[%get3A_32], %broadcast_in_dim3A_6 {add = true} : memref<10240xf32, #tpu.memory_space<vmem>>[vector<16xi32>], vector<16xf32>,
      %get3A_33 = arith.constant 1 : i32
      %get3A_34 = arith.index_cast %scan3A_13 : i32 to index
      %get3A_35 = arith.index_cast %get3A_33 : i32 to index
      %get3A_36 = arith.constant 64 : index
      %get3A_37 = tpu.vector_load %arg4[%get3A_34, %get3A_35, %get3A_36] {strides = array<i32>} : memref<79x2x128xi32, #tpu.memory_space<vmem>>, vector<16xi32>,
      tpu.vector_store_idx %arg5[%get3A_37], %broadcast_in_dim3A_6 {add = true} : memref<10240xf32, #tpu.memory_space<vmem>>[vector<16xi32>], vector<16xf32>,
      %get3A_38 = arith.constant 1 : i32
      %get3A_39 = arith.index_cast %scan3A_13 : i32 to index
      %get3A_40 = arith.index_cast %get3A_38 : i32 to index
      %get3A_41 = arith.constant 80 : index
      %get3A_42 = tpu.vector_load %arg4[%get3A_39, %get3A_40, %get3A_41] {strides = array<i32>} : memref<79x2x128xi32, #tpu.memory_space<vmem>>, vector<16xi32>,
      tpu.vector_store_idx %arg5[%get3A_42], %broadcast_in_dim3A_6 {add = true} : memref<10240xf32, #tpu.memory_space<vmem>>[vector<16xi32>], vector<16xf32>,
      %get3A_43 = arith.constant 1 : i32
      %get3A_44 = arith.index_cast %scan3A_13 : i32 to index
      %get3A_45 = arith.index_cast %get3A_43 : i32 to index
      %get3A_46 = arith.constant 96 : index
      %get3A_47 = tpu.vector_load %arg4[%get3A_44, %get3A_45, %get3A_46] {strides = array<i32>} : memref<79x2x128xi32, #tpu.memory_space<vmem>>, vector<16xi32>,
      tpu.vector_store_idx %arg5[%get3A_47], %broadcast_in_dim3A_6 {add = true} : memref<10240xf32, #tpu.memory_space<vmem>>[vector<16xi32>], vector<16xf32>,
      %get3A_48 = arith.constant 1 : i32
      %get3A_49 = arith.index_cast %scan3A_13 : i32 to index
      %get3A_50 = arith.index_cast %get3A_48 : i32 to index
      %get3A_51 = arith.constant 112 : index
      %get3A_52 = tpu.vector_load %arg4[%get3A_49, %get3A_50, %get3A_51] {strides = array<i32>} : memref<79x2x128xi32, #tpu.memory_space<vmem>>, vector<16xi32>,
      tpu.vector_store_idx %arg5[%get3A_52], %broadcast_in_dim3A_6 {add = true} : memref<10240xf32, #tpu.memory_space<vmem>>[vector<16xi32>], vector<16xf32>,
    }
    %scan3A_12 = arith.constant 79 : i32
    "tpu.region"() ({
      %run_scoped3A = tpu.sem_alloc : memref<!tpu.dma_semaphore, #tpu.memory_space<semaphore_mem>>
      %dma_start3A = arith.constant 0 : i32
      %dma_start3A_13 = tpu.memref_slice %arg3[%add3A, %dma_start3A] : memref<32x10240xf32, #tpu.memory_space<hbm>> -> memref<1x10240xf32, #tpu.memory_space<hbm>>
      %dma_start3A_14 = tpu.memref_squeeze %dma_start3A_13 : memref<1x10240xf32, #tpu.memory_space<hbm>> -> memref<10240xf32, #tpu.memory_space<hbm>>
      %dma_start3A_15 = arith.constant 0 : i32
      %dma_start3A_16 = tpu.memref_slice %arg3[%add3A, %dma_start3A_15] : memref<32x10240xf32, #tpu.memory_space<hbm>> -> memref<1x10240xf32, #tpu.memory_space<hbm>>
      %dma_start3A_17 = tpu.memref_squeeze %dma_start3A_16 : memref<1x10240xf32, #tpu.memory_space<hbm>> -> memref<10240xf32, #tpu.memory_space<hbm>>
      tpu.enqueue_dma source(%arg5 : memref<10240xf32, #tpu.memory_space<vmem>>) target(%dma_start3A_17 : memref<10240xf32, #tpu.memory_space<hbm>>) target_semaphore(%run_scoped3A : memref<!tpu.dma_semaphore, #tpu.memory_space<semaphore_mem>>)
      %dma_wait3A = arith.constant 0 : i32
      %dma_wait3A_18 = tpu.memref_slice %arg3[%add3A, %dma_wait3A] : memref<32x10240xf32, #tpu.memory_space<hbm>> -> memref<1x10240xf32, #tpu.memory_space<hbm>>
      %dma_wait3A_19 = tpu.memref_squeeze %dma_wait3A_18 : memref<1x10240xf32, #tpu.memory_space<hbm>> -> memref<10240xf32, #tpu.memory_space<hbm>>
      %dma_wait3A_20 = arith.constant 0 : i32
      %dma_wait3A_21 = tpu.memref_slice %arg3[%add3A, %dma_wait3A_20] : memref<32x10240xf32, #tpu.memory_space<hbm>> -> memref<1x10240xf32, #tpu.memory_space<hbm>>
      %dma_wait3A_22 = tpu.memref_squeeze %dma_wait3A_21 : memref<1x10240xf32, #tpu.memory_space<hbm>> -> memref<10240xf32, #tpu.memory_space<hbm>>
      tpu.wait_dma2 semaphore(%run_scoped3A : memref<!tpu.dma_semaphore, #tpu.memory_space<semaphore_mem>>) src(%arg5 : memref<10240xf32, #tpu.memory_space<vmem>>) dst(%dma_wait3A_22 : memref<10240xf32, #tpu.memory_space<hbm>>)
      tpu.yield
    }) : () -> ()
    return
  }
}

module attributes {stable_mosaic.version = 14 : i64} {
  func.func @_matmul_body(%arg0: i32, %arg1: memref<2000x128xf32, #tpu.memory_space<vmem>>, %arg2: memref<128x128xf32, #tpu.memory_space<vmem>>, %arg3: memref<2000x128xf32, #tpu.memory_space<vmem>>) attributes {dimension_semantics = [#tpu.dimension_semantics<arbitrary>], iteration_bounds = array<i64: 5>, scalar_prefetch = 0 : i64, scratch_operands = 0 : i64, tpu.core_type = #tpu.core_type<tc>, window_params = [{transform_indices = @transform_0, window_bounds = array<i64: 2000, 128>}, {pipeline_mode = #tpu.pipeline_mode<synchronous>, transform_indices = @transform_1, window_bounds = array<i64: 128, 128>}, {transform_indices = @transform_2, window_bounds = array<i64: 2000, 128>}]} {
    %get3A = arith.constant 0 : index
    %get3A_0 = arith.constant 0 : index
    %get3A_1 = vector.load %arg1[%get3A, %get3A_0] : memref<2000x128xf32, #tpu.memory_space<vmem>>, vector<2000x128xf32>
    %get3A_2 = arith.constant 0 : index
    %get3A_3 = arith.constant 0 : index
    %get3A_4 = vector.load %arg2[%get3A_2, %get3A_3] : memref<128x128xf32, #tpu.memory_space<vmem>>, vector<128x128xf32>
    %dot_general3A = arith.constant dense<0.000000e+00> : vector<2000x128xf32>
    %dot_general3A_5 = tpu.matmul %get3A_1, %get3A_4, %dot_general3A {dimension_numbers = #tpu.dot_dimension_numbers<[1], [0], [0], [1], [0, 0, 1, 1], [], []>, transpose_lhs_hint = false} : vector<2000x128xf32>, vector<128x128xf32>, vector<2000x128xf32> -> vector<2000x128xf32>
    %swap3A = arith.constant 0 : index
    %swap3A_6 = arith.constant 0 : index
    %swap3A_7 = vector.load %arg3[%swap3A, %swap3A_6] : memref<2000x128xf32, #tpu.memory_space<vmem>>, vector<2000x128xf32>
    tpu.vector_store %arg3[%swap3A, %swap3A_6], %dot_general3A_5 {strides = array<i32>} : memref<2000x128xf32, #tpu.memory_space<vmem>>, vector<2000x128xf32>,
    return
  }
  func.func @transform_0(%arg0: i32) -> (i32, i32) {
    %c0_i32 = arith.constant 0 : i32
    %c0_i32_0 = arith.constant 0 : i32
    return %arg0, %c0_i32 : i32, i32
  }
  func.func @transform_1(%arg0: i32) -> (i32, i32) {
    %c0_i32 = arith.constant 0 : i32
    %c0_i32_0 = arith.constant 0 : i32
    %c0_i32_1 = arith.constant 0 : i32
    return %c0_i32, %c0_i32_0 : i32, i32
  }
  func.func @transform_2(%arg0: i32) -> (i32, i32) {
    %c0_i32 = arith.constant 0 : i32
    %c0_i32_0 = arith.constant 0 : i32
    return %arg0, %c0_i32 : i32, i32
  }
}

module attributes {stable_mosaic.version = 14 : i64} {
  func.func @_scale_body(%arg0: i32, %arg1: memref<2000x128xf32, #tpu.memory_space<vmem>>, %arg2: memref<2000x32xf32, #tpu.memory_space<vmem>>, %arg3: memref<2000x128xf32, #tpu.memory_space<vmem>>) attributes {dimension_semantics = [#tpu.dimension_semantics<arbitrary>], iteration_bounds = array<i64: 5>, scalar_prefetch = 0 : i64, scratch_operands = 0 : i64, tpu.core_type = #tpu.core_type<tc>, window_params = [{transform_indices = @transform_0, window_bounds = array<i64: 2000, 128>}, {transform_indices = @transform_1, window_bounds = array<i64: 2000, 32>}, {transform_indices = @transform_2, window_bounds = array<i64: 2000, 128>}]} {
    %get3A = arith.constant 0 : index
    %get3A_0 = arith.constant 0 : index
    %get3A_1 = vector.load %arg2[%get3A, %get3A_0] : memref<2000x32xf32, #tpu.memory_space<vmem>>, vector<2000x32xf32>
    %reduce_sum3A = arith.constant dense<0.000000e+00> : vector<2000xf32>
    %reduce_sum3A_2 = vector.multi_reduction <add>, %get3A_1, %reduce_sum3A [1] : vector<2000x32xf32> to vector<2000xf32>
    %broadcast_in_dim3A = vector.shape_cast %reduce_sum3A_2 : vector<2000xf32> to vector<2000x1xf32>
    %add3A = arith.constant 1.000000e+00 : f32
    %add3A_3 = vector.broadcast %add3A : f32 to vector<2000x1xf32>
    %add3A_4 = arith.addf %broadcast_in_dim3A, %add3A_3 : vector<2000x1xf32>
    %get3A_5 = arith.constant 0 : index
    %get3A_6 = arith.constant 0 : index
    %get3A_7 = vector.load %arg1[%get3A_5, %get3A_6] : memref<2000x128xf32, #tpu.memory_space<vmem>>, vector<2000x128xf32>
    %rsqrt3A = math.rsqrt %add3A_4 : vector<2000x1xf32>
    %mul3A = vector.broadcast %rsqrt3A : vector<2000x1xf32> to vector<2000x128xf32>
    %mul3A_8 = arith.mulf %get3A_7, %mul3A : vector<2000x128xf32>
    %swap3A = arith.constant 0 : index
    %swap3A_9 = arith.constant 0 : index
    %swap3A_10 = vector.load %arg3[%swap3A, %swap3A_9] : memref<2000x128xf32, #tpu.memory_space<vmem>>, vector<2000x128xf32>
    tpu.vector_store %arg3[%swap3A, %swap3A_9], %mul3A_8 {strides = array<i32>} : memref<2000x128xf32, #tpu.memory_space<vmem>>, vector<2000x128xf32>,
    return
  }
  func.func @transform_0(%arg0: i32) -> (i32, i32) {
    %c0_i32 = arith.constant 0 : i32
    %c0_i32_0 = arith.constant 0 : i32
    return %arg0, %c0_i32 : i32, i32
  }
  func.func @transform_1(%arg0: i32) -> (i32, i32) {
    %c0_i32 = arith.constant 0 : i32
    %c0_i32_0 = arith.constant 0 : i32
    return %arg0, %c0_i32 : i32, i32
  }
  func.func @transform_2(%arg0: i32) -> (i32, i32) {
    %c0_i32 = arith.constant 0 : i32
    %c0_i32_0 = arith.constant 0 : i32
    return %arg0, %c0_i32 : i32, i32
  }
}

module attributes {stable_mosaic.version = 14 : i64} {
  func.func @_final_body(%arg0: i32, %arg1: memref<2x2000x128xf32, #tpu.memory_space<vmem>>, %arg2: memref<2000x32xf32, #tpu.memory_space<vmem>>, %arg3: memref<1x128xf32, #tpu.memory_space<vmem>>, %arg4: memref<2000x128xf32, #tpu.memory_space<vmem>>) attributes {dimension_semantics = [#tpu.dimension_semantics<arbitrary>], iteration_bounds = array<i64: 5>, scalar_prefetch = 0 : i64, scratch_operands = 0 : i64, tpu.core_type = #tpu.core_type<tc>, window_params = [{transform_indices = @transform_0, window_bounds = array<i64: 2, 2000, 128>}, {transform_indices = @transform_1, window_bounds = array<i64: 2000, 32>}, {pipeline_mode = #tpu.pipeline_mode<synchronous>, transform_indices = @transform_2, window_bounds = array<i64: 1, 128>}, {transform_indices = @transform_3, window_bounds = array<i64: 2000, 128>}]} {
    %get3A = arith.constant 0 : index
    %get3A_0 = arith.constant 0 : index
    %get3A_1 = vector.load %arg2[%get3A, %get3A_0] : memref<2000x32xf32, #tpu.memory_space<vmem>>, vector<2000x32xf32>
    %reduce_sum3A = arith.constant dense<0.000000e+00> : vector<2000xf32>
    %reduce_sum3A_2 = vector.multi_reduction <add>, %get3A_1, %reduce_sum3A [1] : vector<2000x32xf32> to vector<2000xf32>
    %broadcast_in_dim3A = vector.shape_cast %reduce_sum3A_2 : vector<2000xf32> to vector<2000x1xf32>
    %add3A = arith.constant 1.000000e+00 : f32
    %add3A_3 = vector.broadcast %add3A : f32 to vector<2000x1xf32>
    %add3A_4 = arith.addf %broadcast_in_dim3A, %add3A_3 : vector<2000x1xf32>
    %rsqrt3A = math.rsqrt %add3A_4 : vector<2000x1xf32>
    %get3A_5 = arith.constant 0 : index
    %get3A_6 = arith.constant 0 : index
    %get3A_7 = arith.constant 0 : index
    %get3A_8 = vector.load %arg1[%get3A_5, %get3A_6, %get3A_7] : memref<2x2000x128xf32, #tpu.memory_space<vmem>>, vector<1x2000x128xf32>
    %get3A_9 = vector.shape_cast %get3A_8 : vector<1x2000x128xf32> to vector<2000x128xf32>
    %get3A_10 = arith.constant 1 : index
    %get3A_11 = arith.constant 0 : index
    %get3A_12 = arith.constant 0 : index
    %get3A_13 = vector.load %arg1[%get3A_10, %get3A_11, %get3A_12] : memref<2x2000x128xf32, #tpu.memory_space<vmem>>, vector<1x2000x128xf32>
    %get3A_14 = vector.shape_cast %get3A_13 : vector<1x2000x128xf32> to vector<2000x128xf32>
    %add3A_15 = arith.addf %get3A_9, %get3A_14 : vector<2000x128xf32>
    %mul3A = vector.broadcast %rsqrt3A : vector<2000x1xf32> to vector<2000x128xf32>
    %mul3A_16 = arith.mulf %add3A_15, %mul3A : vector<2000x128xf32>
    %get3A_17 = arith.constant 0 : index
    %get3A_18 = arith.constant 0 : index
    %get3A_19 = vector.load %arg3[%get3A_17, %get3A_18] : memref<1x128xf32, #tpu.memory_space<vmem>>, vector<1x128xf32>
    %add3A_20 = vector.broadcast %get3A_19 : vector<1x128xf32> to vector<2000x128xf32>
    %add3A_21 = arith.addf %mul3A_16, %add3A_20 : vector<2000x128xf32>
    %swap3A = arith.constant 0 : index
    %swap3A_22 = arith.constant 0 : index
    %swap3A_23 = vector.load %arg4[%swap3A, %swap3A_22] : memref<2000x128xf32, #tpu.memory_space<vmem>>, vector<2000x128xf32>
    tpu.vector_store %arg4[%swap3A, %swap3A_22], %add3A_21 {strides = array<i32>} : memref<2000x128xf32, #tpu.memory_space<vmem>>, vector<2000x128xf32>,
    return
  }
  func.func @transform_0(%arg0: i32) -> (i32, i32, i32) {
    %c0_i32 = arith.constant 0 : i32
    %c0_i32_0 = arith.constant 0 : i32
    %c0_i32_1 = arith.constant 0 : i32
    return %c0_i32, %arg0, %c0_i32_0 : i32, i32, i32
  }
  func.func @transform_1(%arg0: i32) -> (i32, i32) {
    %c0_i32 = arith.constant 0 : i32
    %c0_i32_0 = arith.constant 0 : i32
    return %arg0, %c0_i32 : i32, i32
  }
  func.func @transform_2(%arg0: i32) -> (i32, i32) {
    %c0_i32 = arith.constant 0 : i32
    %c0_i32_0 = arith.constant 0 : i32
    %c0_i32_1 = arith.constant 0 : i32
    return %c0_i32, %c0_i32_0 : i32, i32
  }
  func.func @transform_3(%arg0: i32) -> (i32, i32) {
    %c0_i32 = arith.constant 0 : i32
    %c0_i32_0 = arith.constant 0 : i32
    return %arg0, %c0_i32 : i32, i32
  }
}

</mosaic_0001>

<sc_bundles>
// kernel: kernel.10.cloned.1.call-start
scs
__scs_entry_jumppad:
0x0: {  	(pc) =	sbr.rel $0x88, $3  }
0x1: {  	(tag) =	ssettag $0x0;
	lr =	simm.s32 $0x1  }
0x2: {  	[smem:$0x3F9D] =	sst lr;
	_ =	strace $0xD0000000  }
0x3: {  	_ = 	snop  }
0x4: {  	_ = 	snop  }
0x5: {  	_ = 	snop  }
0x6: {  	_ = 	snop  }
0x7: {  	_ = 	snop  }
__scs_overlays_trampoline_lowered:
0x8: {  	[smem:$0x3FAC] =	sst s0  }
0x9: {  	[smem:$0x3FAD] =	sst s1  }
0xa: {  	[smem:$0x3FAE] =	sst s2  }
0xb: {  	[smem:$0x3FAF] =	sst s3  }
0xc: {  	[smem:$0x3FB0] =	sst s4  }
0xd: {  	[smem:$0x3FB1] =	sst s5  }
0xe: {  	[smem:$0x3FB2] =	sst s6  }
0xf: {  	[smem:$0x3FB3] =	sst s7  }
0x10: {  	[smem:$0x3FB4] =	sst s8  }
0x11: {  	[smem:$0x3FB5] =	sst s9;
	s0 =	simm.s32 @!p0 $0x0  }
0x12: {  	s1 =	sld [smem:$0x3F9B];
	s0 =	simm.s32 @p0 $0x1  }
0x13: {  	[smem:$0x3FB6] =	sst s0;
	s0 =	simm.s32 @!p1 $0x0  }
0x14: {  	s2 =	sld [smem:$0x3F9A];
	s0 =	simm.s32 @p1 $0x1  }
0x15: {  	[smem:$0x3FB7] =	sst s0;
	s0 =	simm.s32 @!p2 $0x0  }
0x16: {  	s3 =	sld [smem:$0x3FDB];
	s0 =	simm.s32 @p2 $0x1  }
0x17: {  	s4 =	simm.s32 $0x1BF5;
	[smem:$0x3FB9] =	sst s0  }
0x18: {  	s0 =	sld [smem:$0x3F9C];
	_ =	swait.ge [sflag:s4], $0x0  }
0x19: {  	s7 =	sld [smem:$0x3F9D]  }
0x1a: {  	s8 =	sadd.s32 $0xFFFFE003, lr  }
0x1b: {  	s9 =	sadd.s32 $0xFFFFFEF7, lr;
	s5 =	simm.s32 $0xFFFFFFFF;
	p2 =	slt.u32 s8, $0xFFFFF086  }
0x1c: {  	p1 =	slt.u32 s9, $0xF7A;
	s5 =	simm.s32 @!p2 $0x0  }
0x1d: {  	s5 =	simm.s32 @p1 $0x1;
	p0 =	seq.s32 s7, s2  }
0x1e: {  	s7 =	smul.u32 @!p0 $0xF7A, s2;
	p2 =	seq.s32 @!p0 s5, $0x0  }
0x1f: {  	s9 =	smul.u32 $0xF7A, s1;
	s8 =	simm.s32 @!p0 $0x1BF5;
	p2 =	por !p2, p0  }
0x20: {  	[sflag:s8] =	ssyncset.s32 @!p0 $0xFFFFF086;
	s6 =	sadd.s32 @!p0 s3, s7;
	s7 =	simm.s32 @!p0 $0x108  }
0x21: {  	s3 =	sadd.s32 s3, s9;
	s6 =	sadd.s32 @!p0 $0x88, s6;
	s7 =	simm.s32 @p2 $0x1082  }
0x22: {  	[simem:s7], [sflag:s8] =	dma.local @!p0 [hbm:s6], $0xF7A  }
0x23: {  	s9 =	sor.u32 $0xD0000000, s2;
	s6 =	simm.s32 $0x108;
	_ =	swait.ge @!p0 [sflag:s8], $0x0  }
0x24: {  	s3 =	sadd.s32 $0x88, s3;
	s6 =	simm.s32 @!p1 $0x1082;
	[sflag:s4] =	ssyncset.s32 $0xFFFFF086  }
0x25: {  	[simem:s6], [sflag:s4] =	dma.local [hbm:s3], $0xF7A  }
0x26: {  	[smem:$0x3F9D] =	sst s1;
	(tag) =	ssettag s2;
	_ =	strace s9  }
0x27: {  	s1 =	sld [smem:$0x3FAD]  }
0x28: {  	s2 =	sld [smem:$0x3FAE]  }
0x29: {  	s4 =	sld [smem:$0x3FB0]  }
0x2a: {  	p0 =	seq.s32 s5, $0x0;
	s5 =	sld [smem:$0x3FB1]  }
0x2b: {  	s6 =	sld [smem:$0x3FB2]  }
0x2c: {  	s7 =	sld [smem:$0x3FB3]  }
0x2d: {  	s3 =	simm.s32 $0x108;
	s8 =	sld [smem:$0x3FB4]  }
0x2e: {  	s3 =	simm.s32 @!p0 $0x1082;
	s9 =	sld [smem:$0x3FB5]  }
0x2f: {  	lr =	sadd.s32 s0, s3;
	s0 =	sld [smem:$0x3FAC]  }
0x30: {  	s3 =	sld [smem:$0x3FAF]  }
0x31: {  	[smem:$0x3FB8] =	sst s10  }
0x32: {  	s10 =	sld [smem:$0x3FB6];
	_ =	sdelay $0x3  }
0x33: {  	p0 =	seq.s32 s10, $0x1;
	s10 =	sld [smem:$0x3FB8];
	_ =	sdelay $0x3  }
0x34: {  	[smem:$0x3FB8] =	sst s10  }
0x35: {  	s10 =	sld [smem:$0x3FB7];
	_ =	sdelay $0x3  }
0x36: {  	p1 =	seq.s32 s10, $0x1;
	s10 =	sld [smem:$0x3FB8];
	_ =	sdelay $0x3  }
0x37: {  	[smem:$0x3FB8] =	sst s10  }
0x38: {  	s10 =	sld [smem:$0x3FB9]  }
0x39: {  	_ = 	snop;
	(pc) =	sbr.ind lr, $3  }
0x3a: {  	_ = 	snop  }
0x3b: {  	_ = 	snop  }
0x3c: {  	p2 =	seq.s32 s10, $0x1;
	s10 =	sld [smem:$0x3FB8]  }
0x3d: {  	_ =	shalt  }
0x3e: {  	_ =	shalt  }
0x3f: {  	_ =	shalt  }
0x40: {  	_ =	shalt  }
0x41: {  	_ =	shalt  }
0x42: {  	_ =	shalt  }
0x43: {  	_ =	shalt  }
0x44: {  	_ =	shalt  }
0x45: {  	_ =	shalt  }
0x46: {  	_ =	shalt  }
0x47: {  	_ =	shalt  }
0x48: {  	_ =	shalt  }
0x49: {  	_ =	shalt  }
0x4a: {  	_ =	shalt  }
0x4b: {  	_ =	shalt  }
0x4c: {  	_ =	shalt  }
0x4d: {  	_ =	shalt  }
0x4e: {  	_ =	shalt  }
0x4f: {  	_ =	shalt  }
0x50: {  	_ =	shalt  }
0x51: {  	_ =	shalt  }
0x52: {  	_ =	shalt  }
0x53: {  	_ =	shalt  }
0x54: {  	_ =	shalt  }
0x55: {  	_ =	shalt  }
0x56: {  	_ =	shalt  }
0x57: {  	_ =	shalt  }
0x58: {  	_ =	shalt  }
0x59: {  	_ =	shalt  }
0x5a: {  	_ =	shalt  }
0x5b: {  	_ =	shalt  }
0x5c: {  	_ =	shalt  }
0x5d: {  	_ =	shalt  }
0x5e: {  	_ =	shalt  }
0x5f: {  	_ =	shalt  }
0x60: {  	_ =	shalt  }
0x61: {  	_ =	shalt  }
0x62: {  	_ =	shalt  }
0x63: {  	_ =	shalt  }
0x64: {  	_ =	shalt  }
0x65: {  	_ =	shalt  }
0x66: {  	_ =	shalt  }
0x67: {  	_ =	shalt  }
0x68: {  	_ =	shalt  }
0x69: {  	_ =	shalt  }
0x6a: {  	_ =	shalt  }
0x6b: {  	_ =	shalt  }
0x6c: {  	_ =	shalt  }
0x6d: {  	_ =	shalt  }
0x6e: {  	_ =	shalt  }
0x6f: {  	_ =	shalt  }
0x70: {  	_ =	shalt  }
0x71: {  	_ =	shalt  }
0x72: {  	_ =	shalt  }
0x73: {  	_ =	shalt  }
0x74: {  	_ =	shalt  }
0x75: {  	_ =	shalt  }
0x76: {  	_ =	shalt  }
0x77: {  	_ =	shalt  }
0x78: {  	_ =	shalt  }
0x79: {  	_ =	shalt  }
0x7a: {  	_ =	shalt  }
0x7b: {  	_ =	shalt  }
0x7c: {  	_ =	shalt  }
0x7d: {  	_ =	shalt  }
0x7e: {  	_ =	shalt  }
0x7f: {  	_ =	shalt  }
0x80: {  	_ =	shalt  }
0x81: {  	_ =	shalt  }
0x82: {  	_ =	shalt  }
0x83: {  	_ =	shalt  }
0x84: {  	_ =	shalt  }
0x85: {  	_ =	shalt  }
0x86: {  	_ =	shalt  }
0x87: {  	_ =	shalt  }
.Lfunc_end0:
.L_simem_size_0:
called_computation.1_lowered:
.L_overlay_start_0:
0x88: {  	s2 =	sld [smem:$0x3FD9]  }
0x89: {  	s3 =	sld [smem:$0x3FFE];
	_ =	sdelay $0x1  }
0x8a: {  	s1 =	srdreg.scid  }
0x8b: {  	s0 =	sand.u32 $0x1, s1  }
0x8c: {  	s17 =	sshll.u32 s0, $0xA;
	s2 =	sadd.s32 s3, s2  }
0x8d: {  	s2 =	sadd.s32 s2, s17  }
0x8e: {  	[smem:$0x3FC4] =	sst s2  }
0x8f: {  	_ = 	snop  }
0x90: {  	s2 =	sld [smem:$0x3FD0];
	(tm) =	ssettm $0x1  }
0x91: {  	s18 =	sld [smem:$0x3FFB];
	_ =	sdelay $0x3  }
0x92: {  	_ =	strace s18  }
0x93: {  	s3 =	sld [smem:$0x3FFC];
	_ =	sdelay $0x3  }
0x94: {  	_ =	strace s3  }
0x95: {  	s3 =	sld [smem:$0x3FFD];
	_ =	sdelay $0x3  }
0x96: {  	_ =	strace s3  }
0x97: {  	_ =	strace $0x8FFFFFFF  }
0x98: {  	s19 =	sld [smem:$0x3FDB];
	_ =	sdelay $0x1  }
0x99: {  	s4 =	simm.s32 $_scs_section_size  }
0x9a: {  	s5 =	simm.s32 $_size__tile_overlayer_lowered;
	s6 =	simm.s32 $_tile_overlayer_lowered  }
0x9b: {  	s22 =	simm.s32 $0x1BFF;
	s21 =	sshll.u32 s6, $0x1;
	s3 =	sadd.s32 s4, s19  }
0x9c: {  	s7 =	simm.s32 $0x0;
	s20 =	sshll.u32 s5, $0x1;
	s5 =	sadd.s32 s21, s3  }
0x9d: {  	[timem:s7], [sflag:s22] =	dma.local [hbm:s5], s20  }
0x9e: {  	_ =	swait.ge [sflag:s22], s20  }
0x9f: {  	s4 =	ssub.s32 $0x0, s20;
	[sflag:s22] =	ssyncset.done $0x0  }
0xa0: {  	[sflag:s22] =	ssyncadd.s32 s4;
	_ =	sdelay $0x1  }
0xa1: {  	s23 =	simm.s32 $0x1B8B  }
0xa2: {  	_ =	swait.ge [sflag:s23], $0x1  }
0xa3: {  	[sflag:s23] =	ssyncset.done $0x0  }
0xa4: {  	s25 =	simm.s32 $0x1B8E;
	s24 =	sld [smem:$0x3FFE];
	[sflag:s23] =	ssyncadd.s32 $0xFFFFFFFF  }
0xa5: {  	s26 =	simm.s32 $execute0_lowered;
	[smem:$0x3FD2] =	sst s25  }
0xa6: {  	s5 =	sshll.u32 s26, $0x1;
	_ =	strace $0x80000049;
	[dreg:$0x1] =	wrdreg $0xFFFFFFFF  }
0xa7: {  	s28 =	simm.s32 $_size_execute0_lowered;
	s3 =	sadd.s32 s3, s5;
	[dreg:$0x0] =	wrdreg $0x0  }
0xa8: {  	s5 =	sshll.u32 s28, $0x1;
	[dreg:$0x2] =	wrdreg s3  }
0xa9: {  	[dreg:$0x3] =	wrdreg s5  }
0xaa: {  	[dreg:$0x4] =	wrdreg $0xC0  }
0xab: {  	_ =	task [dreg:s7], $0x5FFFF  }
0xac: {  	[dreg:$0x1] =	wrdreg $0xFFFFFFFF  }
0xad: {  	[dreg:$0x0] =	wrdreg $0x60  }
0xae: {  	[dreg:$0x2] =	wrdreg s24  }
0xaf: {  	[dreg:$0x3] =	wrdreg s2  }
0xb0: {  	[dreg:$0x4] =	wrdreg $0x84000  }
0xb1: {  	[dreg:$0x5] =	wrdreg $0x9  }
0xb2: {  	_ =	task.clear_ibuf [dreg:s7], $0x6FFFF;
	_ =	strace $0x90000049  }
0xb3: {  	s29 =	simm.s32 $0x9;
	_ =	strace $0x8000004B  }
0xb4: {  	_ =	swait.ge [sflag:s29], $0x1  }
0xb5: {  	[sflag:s29] =	ssyncadd.s32 $0xFFFFFFFF  }
0xb6: {  	_ =	strace $0x9000004B  }
0xb7: {  	_ =	sfence  }
0xb8: {  	s30 =	sld [smem:$0x0];
	_ =	sdelay $0x2  }
0xb9: {  	s31 =	sshll.u32 s1, $0xD;
	s1 =	sshrl.u32 s1, $0x2  }
0xba: {  	s3 =	sand.u32 $0x4000, s31;
	s1 =	sadd.s32 s1, s30  }
0xbb: {  	s0 =	sor.u32 s3, s0;
	s1 =	sshll.u32 s1, $0x11  }
0xbc: {  	s0 =	sor.u32 s1, s0  }
0xbd: {  	s0 =	sadd.s32 $0x8F2B, s0  }
0xbe: {  	[sflag:s0] =	ssyncadd.remote.s32 $0x1  }
0xbf: {  	_ =	sfence.sel $0xFFFF  }
0xc0: {  	[dreg:$0x0] =	wrdreg $0xFFFFFFFF;
	(pc) =	sbr.abs _section_cstart, $3  }
0xc1: {  	[dreg:$0x1] =	wrdreg $0xFFFFFFFF  }
0xc2: {  	_ =	task.clear_ibuf [dreg:s7], $0x2FFFF;
	_ =	strace $0x9FFFFFFF  }
0xc3: {  	(tm) =	ssettm $0x7FFFFFFF  }
tec
execute0_lowered:
.L_overlay_start_1:
0x0: {  	(tag) =	ssettag $0x1  }
0x1: {  	s0 =	rddreg [dreg:$0x0]  }
0x2: {  	s5 =	rddreg [dreg:$0x1]  }
0x3: {  	s1 =	rddreg [dreg:$0x2];
	s3 =	simm.s32 $0x0  }
0x4: {  	s4 =	srdreg.scid;
	s2 =	stileid.u32;
	s11 =	simm.s32 $0x80  }
0x5: {  	s12 =	simm.s32 $0x400;
	s13 =	simm.s32 $0x100;
	s14 =	simm.s32 $0x200  }
0x6: {  	s17 =	simm.s32 $0x4;
	s18 =	simm.s32 $0x4400;
	s19 =	simm.s32 $0x1  }
0x7: {  	s20 =	simm.s32 $0x8;
	s21 =	simm.s32 $0x5;
	s22 =	simm.s32 $0x2  }
0x8: {  	s24 =	simm.s32 $0x180;
	[smem:$0x7FF] =	sst s3;
	s8 =	sand.u32 $0x1, s4  }
0x9: {  	s6 =	sshll.u32 s2, $0x1;
	s4 =	sadd.s32 $0x1800, s0;
	s10 =	smul.u32 $0x50000, s2  }
0xa: {  	s15 =	sadd.s32 $0x29800, s0;
	s23 =	smul.u32 $0x2800, s2;
	s31 =	sshll.u32 s2, $0x6  }
0xb: {  	_ =	strace $0x8000004A;
	s7 =	smul.u32 $0x28000, s8;
	s6 =	sor.u32 s8, s6  }
0xc: {  	s9 =	ssub.s32 $0x2, s8;
	p0 =	seq.s32 s8, $0x1;
	[dreg:$0x4] =	wrdreg s24  }
0xd: {  	s24 =	simm.s32 $0x0;
	s6 =	smul.u32 $0x9E0, s6;
	s28 =	sshrl.u32 s9, $0x1  }
0xe: {  	s10 =	sshrl.u32 s10, $0x2;
	s8 =	sadd.s32 s4, s23;
	s0 =	sadd.s32 s7, s0  }
0xf: {  	s9 =	ssub.s32 s9, s28;
	s16 =	sadd.s32 s10, s1;
	s10 =	simm.s32 $0x7  }
0x10: {  	s8 =	smov.u32 @p0 s15;
	s5 =	sadd.s32 s5, s6;
	s30 =	smax.u32 s9, $0x1  }
0x11: {  	s15 =	sor.u32 $0x1C07, s31;
	s6 =	sadd.s32 $0x20, s5;
	[dreg:$0x7] =	wrdreg s30  }
0x12: {  	s0 =	sadd.s32 $0x2C000, s0;
	s29 =	sadd.s32 $0x40, s5;
	[dreg:$0x5] =	wrdreg s6  }
0x13: {  	s16 =	sshrl.u32 s16, $0x3;
	s23 =	sadd.s32 s23, s0;
	[dreg:$0x6] =	wrdreg s29  }
.LBB2_1:
0x14: {  	[tilespmem:s3], [sflag:$0x7] =	stream.linear.gather [hbm4b:s5+s3], $0x100, $0x38;
	[tilespmem:$0x1C400] =	vst v63  }
0x15: {  	_ =	swait.ge [sflag:s10], $0x100  }
0x16: {  	[sflag:s10] =	ssyncset.done $0x0  }
0x17: {  	[sflag:s10] =	ssyncadd.s32 $0xFFFFFF00  }
0x18: {  	[tilespmem:s12], [sflag:$0x1] =	stream.indirect.gather [hbm4b:s4+s11], $0x80, s3, s11, $0xb8;
	[tilespmem:$0x1C400] =	vst v63  }
0x19: {  	s0 =	rddreg [dreg:$0x5]  }
0x1a: {  	[tilespmem:s13], [sflag:$0x4] =	stream.linear.gather [hbm4b:s0+s3], $0x100, $0x38;
	[tilespmem:$0x1C400] =	vst v63  }
0x1b: {  	s30 =	rddreg [dreg:$0x6]  }
0x1c: {  	[tilespmem:s14], [sflag:$0x5] =	stream.linear.gather [hbm4b:s30+s3], $0x100, $0x38;
	[tilespmem:$0x1C400] =	vst v63  }
0x1d: {  	[spmem:s16], [sflag:s15] =	dma.local [hbm:s8], $0x2800  }
0x1e: {  	_ =	swait.ge [sflag:s10], $0x2800  }
0x1f: {  	[sflag:s10] =	ssyncset.done $0x0  }
0x20: {  	[sflag:s10] =	ssyncadd.s32 $0xFFFFD800  }
0x21: {  	[bflag:$0x0] =	sbarrier.arrive $0xFFFF  }
0x22: {  	_ =	swait.ge [sflag:s17], $0x100  }
0x23: {  	p0 =	por $0x0, $0x0;
	[sflag:s17] =	ssyncset.done $0x0  }
0x24: {  	s0 =	sadd.s32 @!p0 $0x0, s5;
	[sflag:s17] =	ssyncadd.s32 $0xFFFFFF00  }
0x25: {  	[tilespmem:s18], [sflag:$0x2] =	stream.indirect.gather [hbm4b:s4+s11], $0x80, s13, s11, $0xb8;
	[tilespmem:$0x1C400] =	vst v63  }
0x26: {  	s25 =	simm.s32 @!p0 $0x300;
	s26 =	simm.s32 @!p0 $0x0;
	s0 =	sadd.s32 @!p0 $0x60, s0  }
0x27: {  	[tilespmem:s25], [sflag:$0x6] =	stream.linear.gather @!p0 [hbm4b:s0+s26], $0x100, $0x38;
	[tilespmem:$0x1C400] =	vst v63  }
0x28: {  	_ =	swait.ge [sflag:s19], $0x4000  }
0x29: {  	[sflag:s19] =	ssyncset.done $0x0  }
0x2a: {  	[sflag:s19] =	ssyncadd.s32 $0xFFFFC000  }
0x2b: {  	[spmem:s1] =	stream.indirect.scatter.add.f32 [tilespmem:s12], [sflag:$0x8], $0x80, s11, s11, $0xb8;
	[tilespmem:$0x1C400] =	vst v63  }
0x2c: {  	_ =	swait.ge [sflag:s20], $0x4000  }
0x2d: {  	[sflag:s20] =	ssyncset.done $0x0  }
0x2e: {  	[sflag:s20] =	ssyncadd.s32 $0xFFFFC000  }
0x2f: {  	_ =	swait.ge [sflag:s21], $0x100  }
0x30: {  	p1 =	por $0x0, $0x0;
	[sflag:s21] =	ssyncset.done $0x0  }
0x31: {  	s0 =	sadd.s32 @!p1 $0x0, s5;
	[sflag:s21] =	ssyncadd.s32 $0xFFFFFF00  }
0x32: {  	[tilespmem:s12], [sflag:$0x1] =	stream.indirect.gather [hbm4b:s4+s11], $0x80, s14, s11, $0xb8;
	[tilespmem:$0x1C400] =	vst v63  }
0x33: {  	s26 =	simm.s32 @!p1 $0x0;
	s28 =	sadd.s32 @!p1 $0x80, s0  }
0x34: {  	[tilespmem:s26], [sflag:$0x3] =	stream.linear.gather @!p1 [hbm4b:s28+s26], $0x100, $0x38;
	[tilespmem:$0x1C400] =	vst v63  }
0x35: {  	_ =	swait.ge [sflag:s22], $0x4000  }
0x36: {  	[sflag:s22] =	ssyncset.done $0x0  }
0x37: {  	s31 =	rddreg [dreg:$0x4];
	[sflag:s22] =	ssyncadd.s32 $0xFFFFC000  }
0x38: {  	[spmem:s1] =	stream.indirect.scatter.add.f32 [tilespmem:s18], [sflag:$0x8], $0x80, s31, s11, $0xb8;
	[tilespmem:$0x1C400] =	vst v63  }
0x39: {  	_ =	swait.ge [sflag:s20], $0x4000  }
0x3a: {  	[sflag:s20] =	ssyncset.done $0x0  }
0x3b: {  	s28 =	simm.s32 @!p0 $0x6;
	[sflag:s20] =	ssyncadd.s32 $0xFFFFC000  }
0x3c: {  	_ =	swait.ge @!p0 [sflag:s28], $0x100  }
0x3d: {  	s29 =	simm.s32 @!p0 $0x80;
	[sflag:s28] =	ssyncset.done @!p0 $0x0  }
0x3e: {  	s30 =	simm.s32 @!p0 $0x4400;
	[sflag:s28] =	ssyncadd.s32 @!p0 $0xFFFFFF00;
	s28 =	simm.s32 @p1 $0x1  }
0x3f: {  	[tilespmem:s30], [sflag:$0x2] =	stream.indirect.gather @!p0 [hbm4b:s4+s29], $0x80, s25, s29, $0xb8;
	[tilespmem:$0x1C400] =	vst v63  }
0x40: {  	_ =	swait.ge @p1 [sflag:s28], $0x4000  }
0x41: {  	s31 =	simm.s32 @p1 $0x80;
	[sflag:s28] =	ssyncset.done @p1 $0x0  }
0x42: {  	s25 =	simm.s32 @p1 $0x400;
	[sflag:s28] =	ssyncadd.s32 @p1 $0xFFFFC000;
	s28 =	simm.s32 @p1 $0x280  }
0x43: {  	[spmem:s1] =	stream.indirect.scatter.add.f32 @p1 [tilespmem:s25], [sflag:$0x8], $0x80, s28, s31, $0xb8;
	[tilespmem:$0x1C400] =	vst v63  }
0x44: {  	s25 =	simm.s32 @p1 $0x8  }
0x45: {  	_ =	swait.ge @p1 [sflag:s25], $0x4000  }
0x46: {  	s28 =	sadd.s32 @!p1 $0xA0, s0;
	[sflag:s25] =	ssyncset.done @p1 $0x0  }
0x47: {  	s31 =	simm.s32 @!p1 $0x100;
	[sflag:s25] =	ssyncadd.s32 @p1 $0xFFFFC000;
	s25 =	simm.s32 @!p1 $0x1  }
0x48: {  	[tilespmem:s31], [sflag:$0x4] =	stream.linear.gather @!p1 [hbm4b:s28+s26], $0x100, $0x38;
	[tilespmem:$0x1C400] =	vst v63  }
0x49: {  	_ =	swait.ge @!p1 [sflag:s25], $0x4000  }
0x4a: {  	s28 =	simm.s32 @!p1 $0x400;
	[sflag:s25] =	ssyncset.done @!p1 $0x0  }
0x4b: {  	s31 =	simm.s32 @!p1 $0x80;
	[sflag:s25] =	ssyncadd.s32 @!p1 $0xFFFFC000;
	s25 =	simm.s32 @!p1 $0x280  }
0x4c: {  	[spmem:s1] =	stream.indirect.scatter.add.f32 @!p1 [tilespmem:s28], [sflag:$0x8], $0x80, s25, s31, $0xb8;
	[tilespmem:$0x1C400] =	vst v63  }
0x4d: {  	s25 =	simm.s32 @!p1 $0x8  }
0x4e: {  	_ =	swait.ge @!p1 [sflag:s25], $0x4000  }
0x4f: {  	[sflag:s25] =	ssyncset.done @!p1 $0x0  }
0x50: {  	s0 =	sadd.s32 @!p1 $0xC0, s0;
	[sflag:s25] =	ssyncadd.s32 @!p1 $0xFFFFC000;
	s25 =	simm.s32 @!p1 $0x200  }
0x51: {  	[tilespmem:s25], [sflag:$0x5] =	stream.linear.gather @!p1 [hbm4b:s0+s26], $0x100, $0x38;
	[tilespmem:$0x1C400] =	vst v63  }
0x52: {  	s0 =	simm.s32 @!p1 $0x3  }
0x53: {  	_ =	swait.ge @!p1 [sflag:s0], $0x100  }
0x54: {  	[sflag:s0] =	ssyncset.done @!p1 $0x0  }
0x55: {  	[sflag:s0] =	ssyncadd.s32 @!p1 $0xFFFFFF00;
	s0 =	simm.s32 @!p0 $0x2  }
0x56: {  	[tilespmem:s28], [sflag:$0x1] =	stream.indirect.gather @!p1 [hbm4b:s4+s31], $0x80, s26, s31, $0xb8;
	[tilespmem:$0x1C400] =	vst v63  }
0x57: {  	_ =	swait.ge @!p0 [sflag:s0], $0x4000  }
0x58: {  	[sflag:s0] =	ssyncset.done @!p0 $0x0  }
0x59: {  	[sflag:s0] =	ssyncadd.s32 @!p0 $0xFFFFC000;
	s0 =	simm.s32 @!p0 $0x380  }
0x5a: {  	[spmem:s1] =	stream.indirect.scatter.add.f32 @!p0 [tilespmem:s30], [sflag:$0x7], $0x80, s0, s29, $0xb8;
	[tilespmem:$0x1C400] =	vst v63  }
0x5b: {  	s0 =	simm.s32 @!p0 $0x7  }
0x5c: {  	s25 =	simm.s32 $0x3;
	s26 =	simm.s32 $0x80;
	_ =	swait.ge @!p0 [sflag:s0], $0x4000  }
.LBB2_2:
0x5d: {  	[sflag:s0] =	ssyncset.done @!p0 $0x0  }
0x5e: {  	[sflag:s0] =	ssyncadd.s32 @!p0 $0xFFFFC000  }
0x5f: {  	s25 =	sadd.s32 $0x4, s25;
	_ =	swait.ge [sflag:s17], $0x100  }
0x60: {  	s28 =	smov.u32 s26;
	p0 =	sgt.u32 s25, $0x4E;
	[sflag:s17] =	ssyncset.done $0x0  }
0x61: {  	s29 =	sadd.s32 @!p0 s28, s5;
	[sflag:s17] =	ssyncadd.s32 $0xFFFFFF00  }
0x62: {  	[tilespmem:s18], [sflag:$0x2] =	stream.indirect.gather [hbm4b:s4+s11], $0x80, s13, s11, $0xb8;
	[tilespmem:$0x1C400] =	vst v63  }
0x63: {  	s0 =	simm.s32 @!p0 $0x300;
	s30 =	simm.s32 @!p0 $0x0;
	s29 =	sadd.s32 @!p0 $0x60, s29  }
0x64: {  	[tilespmem:s0], [sflag:$0x6] =	stream.linear.gather @!p0 [hbm4b:s29+s30], $0x100, $0x38;
	[tilespmem:$0x1C400] =	vst v63  }
0x65: {  	_ =	swait.ge [sflag:s19], $0x4000  }
0x66: {  	[sflag:s19] =	ssyncset.done $0x0  }
0x67: {  	[sflag:s19] =	ssyncadd.s32 $0xFFFFC000  }
0x68: {  	[spmem:s1] =	stream.indirect.scatter.add.f32 [tilespmem:s12], [sflag:$0x8], $0x80, s11, s11, $0xb8;
	[tilespmem:$0x1C400] =	vst v63  }
0x69: {  	_ =	swait.ge [sflag:s20], $0x4000  }
0x6a: {  	[sflag:s20] =	ssyncset.done $0x0  }
0x6b: {  	[sflag:s20] =	ssyncadd.s32 $0xFFFFC000  }
0x6c: {  	_ =	swait.ge [sflag:s21], $0x100  }
0x6d: {  	p2 =	seq.s32 s28, $0x980;
	[sflag:s21] =	ssyncset.done $0x0  }
0x6e: {  	s29 =	sadd.s32 @!p2 s28, s5;
	[sflag:s21] =	ssyncadd.s32 $0xFFFFFF00  }
0x6f: {  	[tilespmem:s12], [sflag:$0x1] =	stream.indirect.gather [hbm4b:s4+s11], $0x80, s14, s11, $0xb8;
	[tilespmem:$0x1C400] =	vst v63  }
0x70: {  	s28 =	simm.s32 @!p2 $0x0;
	s30 =	sadd.s32 @!p2 $0x80, s29  }
0x71: {  	[tilespmem:s28], [sflag:$0x3] =	stream.linear.gather @!p2 [hbm4b:s30+s28], $0x100, $0x38;
	[tilespmem:$0x1C400] =	vst v63  }
0x72: {  	_ =	swait.ge [sflag:s22], $0x4000  }
0x73: {  	[sflag:s22] =	ssyncset.done $0x0  }
0x74: {  	s31 =	rddreg [dreg:$0x4];
	[sflag:s22] =	ssyncadd.s32 $0xFFFFC000  }
0x75: {  	[spmem:s1] =	stream.indirect.scatter.add.f32 [tilespmem:s18], [sflag:$0x8], $0x80, s31, s11, $0xb8;
	[tilespmem:$0x1C400] =	vst v63  }
0x76: {  	_ =	swait.ge [sflag:s20], $0x4000  }
0x77: {  	[sflag:s20] =	ssyncset.done $0x0  }
0x78: {  	s6 =	simm.s32 @!p0 $0x6;
	[sflag:s20] =	ssyncadd.s32 $0xFFFFC000  }
0x79: {  	_ =	swait.ge @!p0 [sflag:s6], $0x100  }
0x7a: {  	s30 =	simm.s32 @!p0 $0x80;
	[sflag:s6] =	ssyncset.done @!p0 $0x0  }
0x7b: {  	s31 =	simm.s32 @!p0 $0x4400;
	[sflag:s6] =	ssyncadd.s32 @!p0 $0xFFFFFF00;
	s6 =	simm.s32 @p2 $0x1  }
0x7c: {  	[tilespmem:s31], [sflag:$0x2] =	stream.indirect.gather @!p0 [hbm4b:s4+s30], $0x80, s0, s30, $0xb8;
	[tilespmem:$0x1C400] =	vst v63  }
0x7d: {  	_ =	swait.ge @p2 [sflag:s6], $0x4000  }
0x7e: {  	s7 =	simm.s32 @p2 $0x80;
	s9 =	simm.s32 @p2 $0x280;
	[sflag:s6] =	ssyncset.done @p2 $0x0  }
0x7f: {  	s0 =	simm.s32 @p2 $0x400;
	[sflag:s6] =	ssyncadd.s32 @p2 $0xFFFFC000;
	s6 =	simm.s32 @p2 $0x8  }
0x80: {  	[spmem:s1] =	stream.indirect.scatter.add.f32 @p2 [tilespmem:s0], [sflag:$0x8], $0x80, s9, s7, $0xb8;
	[tilespmem:$0x1C400] =	vst v63  }
0x81: {  	_ =	swait.ge @p2 [sflag:s6], $0x4000  }
0x82: {  	s2 =	sadd.s32 @!p2 $0xA0, s29;
	[sflag:s6] =	ssyncset.done @p2 $0x0  }
0x83: {  	s0 =	simm.s32 @!p2 $0x100;
	[sflag:s6] =	ssyncadd.s32 @p2 $0xFFFFC000;
	s6 =	simm.s32 @!p2 $0x1  }
0x84: {  	[tilespmem:s0], [sflag:$0x4] =	stream.linear.gather @!p2 [hbm4b:s2+s28], $0x100, $0x38;
	[tilespmem:$0x1C400] =	vst v63  }
0x85: {  	_ =	swait.ge @!p2 [sflag:s6], $0x4000  }
0x86: {  	s7 =	simm.s32 @!p2 $0x280;
	s0 =	simm.s32 @!p2 $0x400;
	[sflag:s6] =	ssyncset.done @!p2 $0x0  }
0x87: {  	s2 =	simm.s32 @!p2 $0x80;
	[sflag:s6] =	ssyncadd.s32 @!p2 $0xFFFFC000;
	s6 =	simm.s32 @!p2 $0x8  }
0x88: {  	[spmem:s1] =	stream.indirect.scatter.add.f32 @!p2 [tilespmem:s0], [sflag:$0x8], $0x80, s7, s2, $0xb8;
	[tilespmem:$0x1C400] =	vst v63  }
0x89: {  	_ =	swait.ge @!p2 [sflag:s6], $0x4000  }
0x8a: {  	s29 =	sadd.s32 @!p2 $0xC0, s29;
	[sflag:s6] =	ssyncset.done @!p2 $0x0  }
0x8b: {  	s7 =	simm.s32 @!p2 $0x200;
	[sflag:s6] =	ssyncadd.s32 @!p2 $0xFFFFC000;
	s6 =	simm.s32 @!p2 $0x3  }
0x8c: {  	[tilespmem:s7], [sflag:$0x5] =	stream.linear.gather @!p2 [hbm4b:s29+s28], $0x100, $0x38;
	[tilespmem:$0x1C400] =	vst v63  }
0x8d: {  	_ =	swait.ge @!p2 [sflag:s6], $0x100  }
0x8e: {  	s26 =	sadd.s32 $0x80, s26;
	[sflag:s6] =	ssyncset.done @!p2 $0x0  }
0x8f: {  	p1 =	sne.s32 s26, $0xA00;
	[sflag:s6] =	ssyncadd.s32 @!p2 $0xFFFFFF00;
	s6 =	simm.s32 @!p0 $0x2  }
0x90: {  	[tilespmem:s0], [sflag:$0x1] =	stream.indirect.gather @!p2 [hbm4b:s4+s2], $0x80, s28, s2, $0xb8;
	[tilespmem:$0x1C400] =	vst v63  }
.Ltmp0:
0x91: {  	_ =	swait.ge @!p0 [sflag:s6], $0x4000;
	(pc) =	sbr.rel @p1 .LBB2_2-.Ltmp0, $4  }
0x92: {  	[sflag:s6] =	ssyncset.done @!p0 $0x0  }
0x93: {  	s2 =	simm.s32 @!p0 $0x380;
	s0 =	simm.s32 @!p0 $0x7;
	[sflag:s6] =	ssyncadd.s32 @!p0 $0xFFFFC000  }
0x94: {  	[spmem:s1] =	stream.indirect.scatter.add.f32 @!p0 [tilespmem:s31], [sflag:$0x7], $0x80, s2, s30, $0xb8;
	[tilespmem:$0x1C400] =	vst v63  }
0x95: {  	_ =	swait.ge @!p0 [sflag:s0], $0x4000  }
0x96: {  	[sflag:s0] =	ssyncset.done @!p0 $0x0  }
0x97: {  	[sflag:s0] =	ssyncadd.s32 @!p0 $0xFFFFC000  }
0x98: {  	[bflag:$0x0] =	sbarrier.arrive $0xFFFF  }
0x99: {  	[hbm:s23], [sflag:s15] =	dma.local [spmem:s16], $0x2800  }
0x9a: {  	_ =	swait.ge [sflag:s10], $0x2800  }
0x9b: {  	s24 =	sadd.s32 $0x1, s24;
	s31 =	rddreg [dreg:$0x7]  }
0x9c: {  	p0 =	sne.s32 s24, s31  }
.Ltmp1:
0x9d: {  	_ = 	snop;
	(pc) =	sbr.rel @p0 .LBB2_1-.Ltmp1, $3  }
0x9e: {  	_ =	sdelay $0x1  }
0x9f: {  	[sflag:s10] =	ssyncset.done $0x0  }
0xa0: {  	[sflag:s10] =	ssyncadd.s32 $0xFFFFD800  }
0xa1: {  	_ =	sfence.sel $0x180000  }
0xa2: {  	[bflag:$0x0] =	sbarrier.arrive $0xFFFF  }
0xa3: {  	_ =	strace $0x9000004A  }
0xa4: {  	s0 =	stileid.u32;
	[bflag:$0x2] =	sbarrier.arrive $0xFFFF  }
0xa5: {  	p0 =	sne.s32 s0, $0x0;
	s0 =	rddreg [dreg:$0x3]  }
0xa6: {  	s0 =	sadd.s32 @!p0 $0x100000, s0  }
0xa7: {  	[sflag:s0] =	ssyncadd.tile.s32 @!p0 $0x1;
	_ =	shalt  }
.Lfunc_end2:
_tile_overlayer_lowered:
.L_overlay_start_2:
0xa8: {  	(tag) =	ssettag $0x2  }
0xa9: {  	s0 =	rddreg [dreg:$0x0];
	s2 =	stileid.u32  }
0xaa: {  	s1 =	rddreg [dreg:$0x1];
	p0 =	sne.s32 s2, $0x0  }
0xab: {  	s3 =	rddreg [dreg:$0x2];
	[bflag:$0x3] =	sbarrier.arrive $0xFFFF;
	s2 =	simm.s32 @!p0 $0x1C07  }
0xac: {  	[timem:s3], [sflag:s2] =	dma.local @!p0 [hbm:s0], s1  }
0xad: {  	s0 =	simm.s32 @!p0 $0x7  }
0xae: {  	_ =	swait.ge @!p0 [sflag:s0], s1  }
0xaf: {  	s1 =	ssub.s32 @!p0 $0x0, s1;
	[sflag:s0] =	ssyncset.done @!p0 $0x0  }
0xb0: {  	[sflag:s0] =	ssyncadd.s32 @!p0 s1  }
0xb1: {  	[bflag:$0x3] =	sbarrier.arrive $0xFFFF  }
0xb2: {  	_ =	shalt  }

// kernel: kernel.7.cloned.1.call-start
scs
__scs_entry_jumppad:
0x0: {  	(pc) =	sbr.rel $0x88, $3  }
0x1: {  	(tag) =	ssettag $0x0;
	lr =	simm.s32 $0x1  }
0x2: {  	[smem:$0x3F9D] =	sst lr;
	_ =	strace $0xD0000000  }
0x3: {  	_ = 	snop  }
0x4: {  	_ = 	snop  }
0x5: {  	_ = 	snop  }
0x6: {  	_ = 	snop  }
0x7: {  	_ = 	snop  }
__scs_overlays_trampoline_lowered:
0x8: {  	[smem:$0x3FAC] =	sst s0  }
0x9: {  	[smem:$0x3FAD] =	sst s1  }
0xa: {  	[smem:$0x3FAE] =	sst s2  }
0xb: {  	[smem:$0x3FAF] =	sst s3  }
0xc: {  	[smem:$0x3FB0] =	sst s4  }
0xd: {  	[smem:$0x3FB1] =	sst s5  }
0xe: {  	[smem:$0x3FB2] =	sst s6  }
0xf: {  	[smem:$0x3FB3] =	sst s7  }
0x10: {  	[smem:$0x3FB4] =	sst s8  }
0x11: {  	[smem:$0x3FB5] =	sst s9;
	s0 =	simm.s32 @!p0 $0x0  }
0x12: {  	s1 =	sld [smem:$0x3F9B];
	s0 =	simm.s32 @p0 $0x1  }
0x13: {  	[smem:$0x3FB6] =	sst s0;
	s0 =	simm.s32 @!p1 $0x0  }
0x14: {  	s2 =	sld [smem:$0x3F9A];
	s0 =	simm.s32 @p1 $0x1  }
0x15: {  	[smem:$0x3FB7] =	sst s0;
	s0 =	simm.s32 @!p2 $0x0  }
0x16: {  	s3 =	sld [smem:$0x3FDB];
	s0 =	simm.s32 @p2 $0x1  }
0x17: {  	s4 =	simm.s32 $0x1BF5;
	[smem:$0x3FB9] =	sst s0  }
0x18: {  	s0 =	sld [smem:$0x3F9C];
	_ =	swait.ge [sflag:s4], $0x0  }
0x19: {  	s7 =	sld [smem:$0x3F9D]  }
0x1a: {  	s8 =	sadd.s32 $0xFFFFE003, lr  }
0x1b: {  	s9 =	sadd.s32 $0xFFFFFEF7, lr;
	s5 =	simm.s32 $0xFFFFFFFF;
	p2 =	slt.u32 s8, $0xFFFFF086  }
0x1c: {  	p1 =	slt.u32 s9, $0xF7A;
	s5 =	simm.s32 @!p2 $0x0  }
0x1d: {  	s5 =	simm.s32 @p1 $0x1;
	p0 =	seq.s32 s7, s2  }
0x1e: {  	s7 =	smul.u32 @!p0 $0xF7A, s2;
	p2 =	seq.s32 @!p0 s5, $0x0  }
0x1f: {  	s9 =	smul.u32 $0xF7A, s1;
	s8 =	simm.s32 @!p0 $0x1BF5;
	p2 =	por !p2, p0  }
0x20: {  	[sflag:s8] =	ssyncset.s32 @!p0 $0xFFFFF086;
	s6 =	sadd.s32 @!p0 s3, s7;
	s7 =	simm.s32 @!p0 $0x108  }
0x21: {  	s3 =	sadd.s32 s3, s9;
	s6 =	sadd.s32 @!p0 $0x88, s6;
	s7 =	simm.s32 @p2 $0x1082  }
0x22: {  	[simem:s7], [sflag:s8] =	dma.local @!p0 [hbm:s6], $0xF7A  }
0x23: {  	s9 =	sor.u32 $0xD0000000, s2;
	s6 =	simm.s32 $0x108;
	_ =	swait.ge @!p0 [sflag:s8], $0x0  }
0x24: {  	s3 =	sadd.s32 $0x88, s3;
	s6 =	simm.s32 @!p1 $0x1082;
	[sflag:s4] =	ssyncset.s32 $0xFFFFF086  }
0x25: {  	[simem:s6], [sflag:s4] =	dma.local [hbm:s3], $0xF7A  }
0x26: {  	[smem:$0x3F9D] =	sst s1;
	(tag) =	ssettag s2;
	_ =	strace s9  }
0x27: {  	s1 =	sld [smem:$0x3FAD]  }
0x28: {  	s2 =	sld [smem:$0x3FAE]  }
0x29: {  	s4 =	sld [smem:$0x3FB0]  }
0x2a: {  	p0 =	seq.s32 s5, $0x0;
	s5 =	sld [smem:$0x3FB1]  }
0x2b: {  	s6 =	sld [smem:$0x3FB2]  }
0x2c: {  	s7 =	sld [smem:$0x3FB3]  }
0x2d: {  	s3 =	simm.s32 $0x108;
	s8 =	sld [smem:$0x3FB4]  }
0x2e: {  	s3 =	simm.s32 @!p0 $0x1082;
	s9 =	sld [smem:$0x3FB5]  }
0x2f: {  	lr =	sadd.s32 s0, s3;
	s0 =	sld [smem:$0x3FAC]  }
0x30: {  	s3 =	sld [smem:$0x3FAF]  }
0x31: {  	[smem:$0x3FB8] =	sst s10  }
0x32: {  	s10 =	sld [smem:$0x3FB6];
	_ =	sdelay $0x3  }
0x33: {  	p0 =	seq.s32 s10, $0x1;
	s10 =	sld [smem:$0x3FB8];
	_ =	sdelay $0x3  }
0x34: {  	[smem:$0x3FB8] =	sst s10  }
0x35: {  	s10 =	sld [smem:$0x3FB7];
	_ =	sdelay $0x3  }
0x36: {  	p1 =	seq.s32 s10, $0x1;
	s10 =	sld [smem:$0x3FB8];
	_ =	sdelay $0x3  }
0x37: {  	[smem:$0x3FB8] =	sst s10  }
0x38: {  	s10 =	sld [smem:$0x3FB9]  }
0x39: {  	_ = 	snop;
	(pc) =	sbr.ind lr, $3  }
0x3a: {  	_ = 	snop  }
0x3b: {  	_ = 	snop  }
0x3c: {  	p2 =	seq.s32 s10, $0x1;
	s10 =	sld [smem:$0x3FB8]  }
0x3d: {  	_ =	shalt  }
0x3e: {  	_ =	shalt  }
0x3f: {  	_ =	shalt  }
0x40: {  	_ =	shalt  }
0x41: {  	_ =	shalt  }
0x42: {  	_ =	shalt  }
0x43: {  	_ =	shalt  }
0x44: {  	_ =	shalt  }
0x45: {  	_ =	shalt  }
0x46: {  	_ =	shalt  }
0x47: {  	_ =	shalt  }
0x48: {  	_ =	shalt  }
0x49: {  	_ =	shalt  }
0x4a: {  	_ =	shalt  }
0x4b: {  	_ =	shalt  }
0x4c: {  	_ =	shalt  }
0x4d: {  	_ =	shalt  }
0x4e: {  	_ =	shalt  }
0x4f: {  	_ =	shalt  }
0x50: {  	_ =	shalt  }
0x51: {  	_ =	shalt  }
0x52: {  	_ =	shalt  }
0x53: {  	_ =	shalt  }
0x54: {  	_ =	shalt  }
0x55: {  	_ =	shalt  }
0x56: {  	_ =	shalt  }
0x57: {  	_ =	shalt  }
0x58: {  	_ =	shalt  }
0x59: {  	_ =	shalt  }
0x5a: {  	_ =	shalt  }
0x5b: {  	_ =	shalt  }
0x5c: {  	_ =	shalt  }
0x5d: {  	_ =	shalt  }
0x5e: {  	_ =	shalt  }
0x5f: {  	_ =	shalt  }
0x60: {  	_ =	shalt  }
0x61: {  	_ =	shalt  }
0x62: {  	_ =	shalt  }
0x63: {  	_ =	shalt  }
0x64: {  	_ =	shalt  }
0x65: {  	_ =	shalt  }
0x66: {  	_ =	shalt  }
0x67: {  	_ =	shalt  }
0x68: {  	_ =	shalt  }
0x69: {  	_ =	shalt  }
0x6a: {  	_ =	shalt  }
0x6b: {  	_ =	shalt  }
0x6c: {  	_ =	shalt  }
0x6d: {  	_ =	shalt  }
0x6e: {  	_ =	shalt  }
0x6f: {  	_ =	shalt  }
0x70: {  	_ =	shalt  }
0x71: {  	_ =	shalt  }
0x72: {  	_ =	shalt  }
0x73: {  	_ =	shalt  }
0x74: {  	_ =	shalt  }
0x75: {  	_ =	shalt  }
0x76: {  	_ =	shalt  }
0x77: {  	_ =	shalt  }
0x78: {  	_ =	shalt  }
0x79: {  	_ =	shalt  }
0x7a: {  	_ =	shalt  }
0x7b: {  	_ =	shalt  }
0x7c: {  	_ =	shalt  }
0x7d: {  	_ =	shalt  }
0x7e: {  	_ =	shalt  }
0x7f: {  	_ =	shalt  }
0x80: {  	_ =	shalt  }
0x81: {  	_ =	shalt  }
0x82: {  	_ =	shalt  }
0x83: {  	_ =	shalt  }
0x84: {  	_ =	shalt  }
0x85: {  	_ =	shalt  }
0x86: {  	_ =	shalt  }
0x87: {  	_ =	shalt  }
.Lfunc_end0:
.L_simem_size_0:
called_computation_lowered:
.L_overlay_start_0:
0x88: {  	s2 =	sld [smem:$0x3FD9]  }
0x89: {  	s3 =	sld [smem:$0x3FFE];
	_ =	sdelay $0x1  }
0x8a: {  	s1 =	srdreg.scid  }
0x8b: {  	s0 =	sand.u32 $0x1, s1  }
0x8c: {  	s17 =	sshll.u32 s0, $0xA;
	s2 =	sadd.s32 s3, s2  }
0x8d: {  	s2 =	sadd.s32 s2, s17  }
0x8e: {  	[smem:$0x3FC4] =	sst s2  }
0x8f: {  	_ = 	snop  }
0x90: {  	s2 =	sld [smem:$0x3FD0];
	(tm) =	ssettm $0x1  }
0x91: {  	s18 =	sld [smem:$0x3FFB];
	_ =	sdelay $0x3  }
0x92: {  	_ =	strace s18  }
0x93: {  	s3 =	sld [smem:$0x3FFC];
	_ =	sdelay $0x3  }
0x94: {  	_ =	strace s3  }
0x95: {  	s3 =	sld [smem:$0x3FFD];
	_ =	sdelay $0x3  }
0x96: {  	_ =	strace s3  }
0x97: {  	_ =	strace $0x8FFFFFFF  }
0x98: {  	s19 =	sld [smem:$0x3FDB];
	_ =	sdelay $0x1  }
0x99: {  	s4 =	simm.s32 $_scs_section_size  }
0x9a: {  	s5 =	simm.s32 $_size__tile_overlayer_lowered;
	s6 =	simm.s32 $_tile_overlayer_lowered  }
0x9b: {  	s22 =	simm.s32 $0x1BFF;
	s21 =	sshll.u32 s6, $0x1;
	s3 =	sadd.s32 s4, s19  }
0x9c: {  	s7 =	simm.s32 $0x0;
	s20 =	sshll.u32 s5, $0x1;
	s5 =	sadd.s32 s21, s3  }
0x9d: {  	[timem:s7], [sflag:s22] =	dma.local [hbm:s5], s20  }
0x9e: {  	_ =	swait.ge [sflag:s22], s20  }
0x9f: {  	s4 =	ssub.s32 $0x0, s20;
	[sflag:s22] =	ssyncset.done $0x0  }
0xa0: {  	[sflag:s22] =	ssyncadd.s32 s4;
	_ =	sdelay $0x1  }
0xa1: {  	s23 =	simm.s32 $0x1B8B  }
0xa2: {  	_ =	swait.ge [sflag:s23], $0x1  }
0xa3: {  	[sflag:s23] =	ssyncset.done $0x0  }
0xa4: {  	s25 =	simm.s32 $0x1B8E;
	s24 =	sld [smem:$0x3FFE];
	[sflag:s23] =	ssyncadd.s32 $0xFFFFFFFF  }
0xa5: {  	s26 =	simm.s32 $execute0_lowered;
	[smem:$0x3FD2] =	sst s25  }
0xa6: {  	s5 =	sshll.u32 s26, $0x1;
	_ =	strace $0x80000046;
	[dreg:$0x1] =	wrdreg $0xFFFFFFFF  }
0xa7: {  	s28 =	simm.s32 $_size_execute0_lowered;
	s3 =	sadd.s32 s3, s5;
	[dreg:$0x0] =	wrdreg $0x0  }
0xa8: {  	s5 =	sshll.u32 s28, $0x1;
	[dreg:$0x2] =	wrdreg s3  }
0xa9: {  	[dreg:$0x3] =	wrdreg s5  }
0xaa: {  	[dreg:$0x4] =	wrdreg $0xC0  }
0xab: {  	_ =	task [dreg:s7], $0x5FFFF  }
0xac: {  	[dreg:$0x1] =	wrdreg $0xFFFFFFFF  }
0xad: {  	[dreg:$0x0] =	wrdreg $0x60  }
0xae: {  	[dreg:$0x2] =	wrdreg s2  }
0xaf: {  	[dreg:$0x3] =	wrdreg s24  }
0xb0: {  	[dreg:$0x4] =	wrdreg $0x9  }
0xb1: {  	_ =	task.clear_ibuf [dreg:s7], $0x5FFFF;
	_ =	strace $0x90000046  }
0xb2: {  	s29 =	simm.s32 $0x9;
	_ =	strace $0x80000048  }
0xb3: {  	_ =	swait.ge [sflag:s29], $0x1  }
0xb4: {  	[sflag:s29] =	ssyncadd.s32 $0xFFFFFFFF  }
0xb5: {  	_ =	strace $0x90000048  }
0xb6: {  	_ =	sfence  }
0xb7: {  	s30 =	sld [smem:$0x0];
	_ =	sdelay $0x2  }
0xb8: {  	s31 =	sshll.u32 s1, $0xD;
	s1 =	sshrl.u32 s1, $0x2  }
0xb9: {  	s3 =	sand.u32 $0x4000, s31;
	s1 =	sadd.s32 s1, s30  }
0xba: {  	s0 =	sor.u32 s3, s0;
	s1 =	sshll.u32 s1, $0x11  }
0xbb: {  	s0 =	sor.u32 s1, s0  }
0xbc: {  	s0 =	sadd.s32 $0x8F2B, s0  }
0xbd: {  	[sflag:s0] =	ssyncadd.remote.s32 $0x1  }
0xbe: {  	_ =	sfence.sel $0xFFFF  }
0xbf: {  	[dreg:$0x0] =	wrdreg $0xFFFFFFFF;
	(pc) =	sbr.abs _section_cstart, $3  }
0xc0: {  	[dreg:$0x1] =	wrdreg $0xFFFFFFFF  }
0xc1: {  	_ =	task.clear_ibuf [dreg:s7], $0x2FFFF;
	_ =	strace $0x9FFFFFFF  }
0xc2: {  	(tm) =	ssettm $0x7FFFFFFF  }
0xc3: {  	_ =	shalt  }
tec
execute0_lowered:
.L_overlay_start_1:
0x0: {  	(tag) =	ssettag $0x1  }
0x1: {  	s1 =	srdreg.scid  }
0x2: {  	s0 =	stileid.u32;
	s4 =	rddreg [dreg:$0x0]  }
0x3: {  	s6 =	rddreg [dreg:$0x1];
	s3 =	sand.u32 $0x1, s1;
	s29 =	sshll.u32 s0, $0x1  }
0x4: {  	s2 =	simm.s32 $0x0;
	s30 =	sshrl.u32 s0, $0x2;
	s5 =	sor.u32 s3, s29  }
0x5: {  	s9 =	simm.s32 $0x400;
	s7 =	smul.u32 $0x14000, s30;
	s8 =	sshll.u32 s5, $0x7  }
0x6: {  	s10 =	simm.s32 $0x0;
	s1 =	rddreg [dreg:$0x2];
	s8 =	sand.u32 $0x380, s8  }
0x7: {  	[smem:$0x7FF] =	sst s2;
	s3 =	ssub.s32 $0x2, s3;
	s7 =	sor.u32 s7, s8  }
0x8: {  	_ =	strace $0x80000047;
	s5 =	smul.u32 $0x9E0, s5;
	s7 =	sshrl.u32 s7, $0x3  }
0x9: {  	s31 =	sshrl.u32 s3, $0x1;
	s8 =	simm.s32 $0x80;
	s6 =	sadd.s32 s7, s6  }
0xa: {  	s7 =	ssub.s32 s3, s31;
	s3 =	sadd.s32 s4, s5;
	s4 =	sadd.s32 $0x1800, s6  }
0xb: {  	v0 =	vimm.f32 $0.0e+00;
	v1 =	vimm.f32 $1.000000000e+00;
	s5 =	smax.u32 s7, $0x1;
	s6 =	simm.s32 $0x1;
	s7 =	simm.s32 $0x4F00  }
.LBB2_1:
0xc: {  	s11 =	simm.s32 $0x0;
	s12 =	simm.s32 $0x200  }
.LBB2_2:
0xd: {  	p0 =	sne.s32 s12, $0x9E00;
	[tilespmem:s11+$0x4F70] =	vst v0  }
0xe: {  	[tilespmem:s11+$0x4F00] =	vst v0  }
0xf: {  	[tilespmem:s11+$0x4F10] =	vst v0  }
.Ltmp0:
0x10: {  	[tilespmem:s11+$0x4F20] =	vst v0;
	(pc) =	sbr.rel @p0 .LBB2_2-.Ltmp0, $4  }
0x11: {  	[tilespmem:s11+$0x4F30] =	vst v0  }
0x12: {  	[tilespmem:s11+$0x4F40] =	vst v0  }
0x13: {  	[tilespmem:s11+$0x4F50] =	vst v0  }
0x14: {  	[tilespmem:s11+$0x4F60] =	vst v0;
	s11 =	sshra.s32 s12, $0x2;
	s12 =	sadd.s32 $0x200, s12  }
0x15: {  	[tilespmem:s11+$0x4F70] =	vst v0  }
0x16: {  	[tilespmem:s11+$0x4F00] =	vst v0  }
0x17: {  	[tilespmem:s11+$0x4F10] =	vst v0  }
0x18: {  	[tilespmem:s11+$0x4F20] =	vst v0  }
0x19: {  	[tilespmem:s11+$0x4F30] =	vst v0  }
0x1a: {  	[tilespmem:s11+$0x4F40] =	vst v0  }
0x1b: {  	[tilespmem:s11+$0x4F50] =	vst v0  }
0x1c: {  	[tilespmem:s11+$0x4F60] =	vst v0  }
0x1d: {  	[tilespmem:s2], [sflag:$0x1] =	stream.linear.gather [hbm4b:s3+s2], $0x4F00, $0x38;
	[tilespmem:$0x7700] =	vst v63  }
0x1e: {  	_ =	swait.ge [sflag:s6], $0x4F00  }
0x1f: {  	[sflag:s6] =	ssyncset.done $0x0  }
0x20: {  	s11 =	simm.s32 $0x3C0;
	[sflag:s6] =	ssyncadd.s32 $0xFFFFB100  }
.LBB2_4:
0x21: {  	s12 =	sshra.s32 s11, $0x2  }
0x22: {  	v2 =	vld [tilespmem:s12+$0xFFFFFF90];
	_ =	sdelay $0x7  }
0x23: {  	[tilespmem:v2+s7+$0x0] =	vst.idx.add.f32.msk $0xffff, v1  }
0x24: {  	v2 =	vld [tilespmem:s12+$0xFFFFFFA0];
	_ =	sdelay $0x7  }
0x25: {  	[tilespmem:v2+s7+$0x0] =	vst.idx.add.f32.msk $0xffff, v1  }
0x26: {  	v2 =	vld [tilespmem:s12+$0xFFFFFFB0];
	_ =	sdelay $0x7  }
0x27: {  	[tilespmem:v2+s7+$0x0] =	vst.idx.add.f32.msk $0xffff, v1  }
0x28: {  	v2 =	vld [tilespmem:s12+$0xFFFFFFC0];
	_ =	sdelay $0x7  }
0x29: {  	[tilespmem:v2+s7+$0x0] =	vst.idx.add.f32.msk $0xffff, v1  }
0x2a: {  	v2 =	vld [tilespmem:s12+$0xFFFFFFD0];
	_ =	sdelay $0x7  }
0x2b: {  	[tilespmem:v2+s7+$0x0] =	vst.idx.add.f32.msk $0xffff, v1  }
0x2c: {  	v2 =	vld [tilespmem:s12+$0xFFFFFFE0];
	_ =	sdelay $0x7  }
0x2d: {  	[tilespmem:v2+s7+$0x0] =	vst.idx.add.f32.msk $0xffff, v1  }
0x2e: {  	v2 =	vld [tilespmem:s12+$0xFFFFFFF0];
	_ =	sdelay $0x7  }
0x2f: {  	[tilespmem:v2+s7+$0x0] =	vst.idx.add.f32.msk $0xffff, v1  }
0x30: {  	v2 =	vld [tilespmem:s12+$0x0];
	_ =	sdelay $0x2  }
0x31: {  	p0 =	sne.s32 s11, $0x13BC0  }
.Ltmp1:
0x32: {  	_ = 	snop;
	(pc) =	sbr.rel @p0 .LBB2_4-.Ltmp1, $2  }
0x33: {  	_ =	sdelay $0x2  }
0x34: {  	s11 =	sadd.s32 $0x400, s11;
	[tilespmem:v2+s7+$0x0] =	vst.idx.add.f32.msk $0xffff, v1  }
0x35: {  	s10 =	sadd.s32 $0x1, s10  }
0x36: {  	p0 =	sne.s32 s10, s5  }
.Ltmp2:
0x37: {  	_ = 	snop;
	(pc) =	sbr.rel @p0 .LBB2_1-.Ltmp2, $4  }
0x38: {  	[hbm4b:s4+s8] =	stream.strided.scatter [tilespmem:s7], [sflag:$0x1], $0x2800, s9, s8, $0x38;
	[tilespmem:$0x7700] =	vst v63  }
0x39: {  	_ =	swait.ge [sflag:s6], $0x2800  }
0x3a: {  	[sflag:s6] =	ssyncset.done $0x0  }
0x3b: {  	[sflag:s6] =	ssyncadd.s32 $0xFFFFD800  }
0x3c: {  	_ =	sfence.sel $0x180000  }
0x3d: {  	[bflag:$0x0] =	sbarrier.arrive $0xFFFF  }
0x3e: {  	p0 =	sne.s32 s0, $0x0;
	_ =	strace $0x90000047  }
0x3f: {  	s0 =	sadd.s32 @!p0 $0x100000, s1;
	[bflag:$0x2] =	sbarrier.arrive $0xFFFF  }
0x40: {  	[sflag:s0] =	ssyncadd.tile.s32 @!p0 $0x1;
	_ =	shalt  }
.Lfunc_end2:
_tile_overlayer_lowered:
.L_overlay_start_2:
0x41: {  	(tag) =	ssettag $0x2  }
0x42: {  	s0 =	rddreg [dreg:$0x0];
	s2 =	stileid.u32  }
0x43: {  	s1 =	rddreg [dreg:$0x1];
	p0 =	sne.s32 s2, $0x0  }
0x44: {  	s3 =	rddreg [dreg:$0x2];
	[bflag:$0x3] =	sbarrier.arrive $0xFFFF;
	s2 =	simm.s32 @!p0 $0x1C01  }
0x45: {  	[timem:s3], [sflag:s2] =	dma.local @!p0 [hbm:s0], s1  }
0x46: {  	s0 =	simm.s32 @!p0 $0x1  }
0x47: {  	_ =	swait.ge @!p0 [sflag:s0], s1  }
0x48: {  	s1 =	ssub.s32 @!p0 $0x0, s1;
	[sflag:s0] =	ssyncset.done @!p0 $0x0  }
0x49: {  	[sflag:s0] =	ssyncadd.s32 @!p0 s1  }
0x4a: {  	[bflag:$0x3] =	sbarrier.arrive $0xFFFF  }
0x4b: {  	_ =	shalt  }

</sc_bundles>
